<compile_context>
chip_gen: v7x
topology: tpu7x:2x2x1
jax: 0.10.2.dev20260603
libtpu: 0.0.44.dev20260713+nightly
codegen_flags: <defaults>
</compile_context>

<pallas_src>
import functools

import jax
import jax.numpy as jnp
from jax import lax
from jax.experimental import pallas as pl
from jax.experimental.pallas import tpu as pltpu
from jax.experimental.pallas import tpu_sc as plsc

_NC = 2
_NS = 16
_NW = _NC * _NS
_C = 128
_K = 3


def _transform_body(x_ref, w_ref, b_ref, o_ref):
    o_ref[...] = (
        jnp.dot(x_ref[...], w_ref[...], preferred_element_type=jnp.float32)
        + b_ref[...]
    )


def _transform(table, W, b):
    N, D = table.shape
    E = W.shape[1]
    BLK = 10000
    assert N % BLK == 0
    return pl.pallas_call(
        _transform_body,
        grid=(N // BLK,),
        in_specs=[
            pl.BlockSpec((BLK, D), lambda i: (i, 0)),
            pl.BlockSpec((D, E), lambda i: (0, 0)),
            pl.BlockSpec((1, E), lambda i: (0, 0)),
        ],
        out_specs=pl.BlockSpec((BLK, E), lambda i: (i, 0)),
        out_shape=jax.ShapeDtypeStruct((N, E), jnp.float32),
    )(table, W, b.reshape(1, E))


@functools.lru_cache(maxsize=None)
def _make_gather(B, D, n_chunks):
    bw = n_chunks * _C
    main = bw * _NW
    rem = B - main
    n_banks = (n_chunks - 2) // _K
    assert rem == 288 and n_chunks == n_banks * _K + 2 and n_banks % 2 == 0
    bank_rows = _K * _C
    mesh = plsc.VectorSubcoreMesh(core_axis_name="c", subcore_axis_name="s")

    @functools.partial(
        pl.kernel,
        mesh=mesh,
        out_type=jax.ShapeDtypeStruct((B, D), jnp.float32),
        scratch_types=[
            pltpu.VMEM((bw,), jnp.int32),
            pltpu.VMEM((2, bank_rows, D), jnp.float32),
            pltpu.VMEM((_C,), jnp.int32),
        ]
        + [pltpu.SemaphoreType.DMA] * 4,
    )
    def k(idx_hbm, table_hbm, out_hbm, idx_v, bufs, tidx_v, *sems):
        sem_g = sems[:2]
        sem_o = sems[2:]
        wid = lax.axis_index("s") * _NC + lax.axis_index("c")
        pltpu.sync_copy(idx_hbm.at[pl.ds(wid * bw, bw)], idx_v)
        base = wid * bw

        def gs_bank(j, p):
            for c in range(_K):
                pltpu.async_copy(
                    table_hbm.at[idx_v.at[pl.ds((j * _K + c) * _C, _C)]],
                    bufs.at[p, pl.ds(c * _C, _C)], sem_g[p],
                )

        def gw_bank(p):
            pltpu.make_async_copy(
                table_hbm.at[pl.ds(0, bank_rows)], bufs.at[p], sem_g[p]
            ).wait()

        def cs_bank(j, p):
            pltpu.async_copy(
                bufs.at[p], out_hbm.at[pl.ds(base + j * bank_rows, bank_rows)],
                sem_o[p],
            )

        def cw_bank(p):
            pltpu.make_async_copy(
                bufs.at[p], out_hbm.at[pl.ds(0, bank_rows)], sem_o[p]
            ).wait()

        gs_bank(0, 0)

        def body(i, carry):
            for p in range(2):
                j = 2 * i + p

                @pl.when(j >= 1)
                def _():
                    cw_bank(1 - p)

                @pl.when(j + 1 < n_banks)
                def _():
                    gs_bank(j + 1, 1 - p)

                gw_bank(p)
                cs_bank(j, p)
            return carry

        lax.fori_loop(0, n_banks // 2, body, 0)

        g0 = n_banks * _K
        for c in range(2):
            pltpu.async_copy(
                table_hbm.at[idx_v.at[pl.ds((g0 + c) * _C, _C)]],
                bufs.at[0, pl.ds(c * _C, _C)], sem_g[0],
            )
        pltpu.make_async_copy(
            table_hbm.at[pl.ds(0, 2 * _C)], bufs.at[0, pl.ds(0, 2 * _C)],
            sem_g[0],
        ).wait()
        pltpu.sync_copy(
            bufs.at[0, pl.ds(0, 2 * _C)],
            out_hbm.at[pl.ds(base + g0 * _C, 2 * _C)],
        )
        cw_bank(1)

        @pl.when(wid < 2)
        def _():
            t0 = main + wid * _C
            pltpu.sync_copy(idx_hbm.at[pl.ds(t0, _C)], tidx_v)
            pltpu.async_copy(
                table_hbm.at[tidx_v], bufs.at[0, pl.ds(0, _C)], sem_g[0]
            ).wait()
            pltpu.sync_copy(
                bufs.at[0, pl.ds(0, _C)], out_hbm.at[pl.ds(t0, _C)]
            )

        @pl.when(wid == 2)
        def _():
            t0 = main + 2 * _C
            pltpu.sync_copy(
                idx_hbm.at[pl.ds(t0, 32)], tidx_v.at[pl.ds(0, 32)]
            )
            pltpu.async_copy(
                table_hbm.at[tidx_v.at[pl.ds(0, 32)]],
                bufs.at[0, pl.ds(0, 32)], sem_g[0],
            ).wait()
            pltpu.sync_copy(
                bufs.at[0, pl.ds(0, 32)], out_hbm.at[pl.ds(t0, 32)]
            )

    return k


def kernel(node_features, W_node, b_node, time_w, time_b, W_time, b_time,
           source_nodes, timestamps):
    N, D = node_features.shape
    E = W_node.shape[1]
    B = source_nodes.shape[0]

    transformed = _transform(node_features, W_node, b_node)

    idx = source_nodes.astype(jnp.int32)
    n_chunks = (B // _NW) // _C

    return _make_gather(B, E, n_chunks)(idx, transformed)

# --- scband reference (transcript-rebuilt; emitter-appended) ---
"""Pipeline reference for scband-graph-embedding-68453188763767 (READ-ONLY COPY).

The authoritative reference and input builder live on the scoring server;
editing this copy changes nothing except your own understanding.
"""

import jax, jax.numpy as jnp
import numpy as np

N_NODES = 100000
N_SRC = 500000
D_NODE = 128
D_TIME = 100
D_EMB = 128


def setup_inputs(seed: int = 0) -> dict:
    key = jax.random.key(seed)
    ks = jax.random.split(key, 10)
    node_features = jax.random.normal(ks[0], (N_NODES, D_NODE), dtype=jnp.float32)
    source_nodes = jax.random.randint(ks[1], (N_SRC,), 0, N_NODES, dtype=jnp.int64 if jax.config.jax_enable_x64 else jnp.int32)
    timestamps = jax.random.uniform(ks[2], (N_SRC,), dtype=jnp.float32) * 1000.0
    # learned parameters
    W_node = jax.random.normal(ks[3], (D_NODE, D_EMB), dtype=jnp.float32) * (1.0 / np.sqrt(D_NODE))
    b_node = jnp.zeros((D_EMB,), dtype=jnp.float32)
    # TGN-style time encoder: cos(t * w + b)
    time_w = jax.random.normal(ks[4], (D_TIME,), dtype=jnp.float32)
    time_b = jnp.zeros((D_TIME,), dtype=jnp.float32)
    W_time = jax.random.normal(ks[5], (D_TIME, D_EMB), dtype=jnp.float32) * (1.0 / np.sqrt(D_TIME))
    b_time = jnp.zeros((D_EMB,), dtype=jnp.float32)
    return {
        'node_features': node_features,
        'W_node': W_node,
        'b_node': b_node,
        'time_w': time_w,
        'time_b': time_b,
        'W_time': W_time,
        'b_time': b_time,
        'source_nodes': source_nodes,
        'timestamps': timestamps,
    }


def reference(node_features, W_node, b_node, time_w, time_b, W_time, b_time, source_nodes, timestamps):
    # GraphEmbedding.compute_embedding with n_layers = 0 (base of the recursion):
    # validity mask: keep nodes with index <= max_node_idx
    max_node_idx = node_features.shape[0] - 1
    valid_mask = source_nodes <= max_node_idx
    safe_idx = jnp.clip(source_nodes, 0, max_node_idx)
    # source_nodes_time_embedding = time_dim_transform(time_encoder(zeros_like(t)))
    t0 = jnp.zeros_like(timestamps)
    time_emb = jnp.cos(t0[:, None] * time_w[None, :] + time_b[None, :])
    time_emb = time_emb @ W_time + b_time  # computed but unused in the n_layers==0 path
    # source_node_features = node_dim_transform(node_features[source_nodes])
    src_feat = jnp.take(node_features, safe_idx, axis=0)
    src_feat = src_feat @ W_node + b_node
    # full_features = zeros; full_features[valid_mask] = source_node_features
    full_features = jnp.where(valid_mask[:, None], src_feat, jnp.zeros_like(src_feat))
    return full_features


if False:  # reference __main__ guard neutralized (emitter)
    inp = setup_inputs()
    out = reference(**inp)
    print(out.shape, out.dtype)

if __name__ == "__main__":
    import jax
    _d = setup_inputs()
    print(jax.jit(kernel)(*tuple(_d.values())))

</pallas_src>

<mosaic_0001>
#map = affine_map<(d0, d1) -> (0)>
#map1 = affine_map<(d0, d1) -> (0, 0)>
module attributes {stable_mosaic.version = 14 : i64} {
  func.func @k(%arg0: i32, %arg1: i32, %arg2: memref<500000xi32, #tpu.memory_space<hbm>>, %arg3: memref<100000x128xf32, #tpu.memory_space<hbm>>, %arg4: memref<500000x128xf32, #tpu.memory_space<hbm>>, %arg5: memref<15616xi32, #tpu.memory_space<vmem>>, %arg6: memref<2x384x128xf32, #tpu.memory_space<vmem>>, %arg7: memref<128xi32, #tpu.memory_space<vmem>>, %arg8: memref<!tpu.dma_semaphore, #tpu.memory_space<semaphore_mem>>, %arg9: memref<!tpu.dma_semaphore, #tpu.memory_space<semaphore_mem>>, %arg10: memref<!tpu.dma_semaphore, #tpu.memory_space<semaphore_mem>>, %arg11: memref<!tpu.dma_semaphore, #tpu.memory_space<semaphore_mem>>) attributes {dimension_semantics = [#tpu.dimension_semantics<core_parallel>, #tpu.dimension_semantics<subcore_parallel>], iteration_bounds = array<i64: 2, 16>, scalar_prefetch = 0 : i64, scratch_operands = 7 : i64, tpu.core_type = #tpu.core_type<sc_vector_subcore>, window_params = [{transform_indices = #map}, {transform_indices = #map1}, {transform_indices = #map1}]} {
    %mul3A = arith.constant 2 : i32
    %mul3A_0 = arith.muli %arg1, %mul3A : i32
    %add3A = arith.addi %mul3A_0, %arg0 : i32
    %mul3A_1 = arith.constant 15616 : i32
    %mul3A_2 = arith.muli %add3A, %mul3A_1 : i32
    "tpu.region"() ({
      %run_scoped3A_96 = tpu.sem_alloc : memref<!tpu.dma_semaphore, #tpu.memory_space<semaphore_mem>>
      %dma_start3A_97 = tpu.memref_slice %arg2[%mul3A_2] : memref<500000xi32, #tpu.memory_space<hbm>> -> memref<15616xi32, #tpu.memory_space<hbm>>
      %dma_start3A_98 = tpu.memref_slice %arg2[%mul3A_2] : memref<500000xi32, #tpu.memory_space<hbm>> -> memref<15616xi32, #tpu.memory_space<hbm>>
      tpu.enqueue_dma source(%dma_start3A_98 : memref<15616xi32, #tpu.memory_space<hbm>>) target(%arg5 : memref<15616xi32, #tpu.memory_space<vmem>>) target_semaphore(%run_scoped3A_96 : memref<!tpu.dma_semaphore, #tpu.memory_space<semaphore_mem>>)
      %dma_wait3A_99 = tpu.memref_slice %arg2[%mul3A_2] : memref<500000xi32, #tpu.memory_space<hbm>> -> memref<15616xi32, #tpu.memory_space<hbm>>
      %dma_wait3A_100 = tpu.memref_slice %arg2[%mul3A_2] : memref<500000xi32, #tpu.memory_space<hbm>> -> memref<15616xi32, #tpu.memory_space<hbm>>
      tpu.wait_dma2 semaphore(%run_scoped3A_96 : memref<!tpu.dma_semaphore, #tpu.memory_space<semaphore_mem>>) src(%dma_wait3A_100 : memref<15616xi32, #tpu.memory_space<hbm>>) dst(%arg5 : memref<15616xi32, #tpu.memory_space<vmem>>)
      tpu.yield
    }) : () -> ()
    %mul3A_3 = arith.constant 15616 : i32
    %mul3A_4 = arith.muli %add3A, %mul3A_3 : i32
    %dma_start3A = arith.constant 0 : i32
    %dma_start3A_5 = arith.constant 0 : i32
    %dma_start3A_6 = arith.constant 0 : i32
    %dma_start3A_7 = tpu.memref_slice %arg6[%dma_start3A, %dma_start3A_5, %dma_start3A_6] : memref<2x384x128xf32, #tpu.memory_space<vmem>> -> memref<1x128x128xf32, #tpu.memory_space<vmem>>
    %dma_start3A_8 = tpu.memref_squeeze %dma_start3A_7 : memref<1x128x128xf32, #tpu.memory_space<vmem>> -> memref<128x128xf32, #tpu.memory_space<vmem>>
    %dma_start3A_9 = arith.constant 0 : i32
    %dma_start3A_10 = tpu.memref_slice %arg5[%dma_start3A_9] : memref<15616xi32, #tpu.memory_space<vmem>> -> memref<128xi32, #tpu.memory_space<vmem>>
    %dma_start3A_11 = arith.constant 0 : i32
    %dma_start3A_12 = arith.constant 0 : i32
    %dma_start3A_13 = tpu.memref_slice %arg3[%dma_start3A_11, %dma_start3A_12] : memref<100000x128xf32, #tpu.memory_space<hbm>> -> memref<100000x128xf32, #tpu.memory_space<hbm>>
    tpu.enqueue_indirect_dma source(%dma_start3A_13 : memref<100000x128xf32, #tpu.memory_space<hbm>>) target(%dma_start3A_8 : memref<128x128xf32, #tpu.memory_space<vmem>>) offsets(%dma_start3A_10 : memref<128xi32, #tpu.memory_space<vmem>>) semaphore(%arg8 : memref<!tpu.dma_semaphore, #tpu.memory_space<semaphore_mem>>)
    %dma_start3A_14 = arith.constant 0 : i32
    %dma_start3A_15 = arith.constant 128 : i32
    %dma_start3A_16 = arith.constant 0 : i32
    %dma_start3A_17 = tpu.memref_slice %arg6[%dma_start3A_14, %dma_start3A_15, %dma_start3A_16] : memref<2x384x128xf32, #tpu.memory_space<vmem>> -> memref<1x128x128xf32, #tpu.memory_space<vmem>>
    %dma_start3A_18 = tpu.memref_squeeze %dma_start3A_17 : memref<1x128x128xf32, #tpu.memory_space<vmem>> -> memref<128x128xf32, #tpu.memory_space<vmem>>
    %dma_start3A_19 = arith.constant 128 : i32
    %dma_start3A_20 = tpu.memref_slice %arg5[%dma_start3A_19] : memref<15616xi32, #tpu.memory_space<vmem>> -> memref<128xi32, #tpu.memory_space<vmem>>
    %dma_start3A_21 = arith.constant 0 : i32
    %dma_start3A_22 = arith.constant 0 : i32
    %dma_start3A_23 = tpu.memref_slice %arg3[%dma_start3A_21, %dma_start3A_22] : memref<100000x128xf32, #tpu.memory_space<hbm>> -> memref<100000x128xf32, #tpu.memory_space<hbm>>
    tpu.enqueue_indirect_dma source(%dma_start3A_23 : memref<100000x128xf32, #tpu.memory_space<hbm>>) target(%dma_start3A_18 : memref<128x128xf32, #tpu.memory_space<vmem>>) offsets(%dma_start3A_20 : memref<128xi32, #tpu.memory_space<vmem>>) semaphore(%arg8 : memref<!tpu.dma_semaphore, #tpu.memory_space<semaphore_mem>>)
    %dma_start3A_24 = arith.constant 0 : i32
    %dma_start3A_25 = arith.constant 256 : i32
    %dma_start3A_26 = arith.constant 0 : i32
    %dma_start3A_27 = tpu.memref_slice %arg6[%dma_start3A_24, %dma_start3A_25, %dma_start3A_26] : memref<2x384x128xf32, #tpu.memory_space<vmem>> -> memref<1x128x128xf32, #tpu.memory_space<vmem>>
    %dma_start3A_28 = tpu.memref_squeeze %dma_start3A_27 : memref<1x128x128xf32, #tpu.memory_space<vmem>> -> memref<128x128xf32, #tpu.memory_space<vmem>>
    %dma_start3A_29 = arith.constant 256 : i32
    %dma_start3A_30 = tpu.memref_slice %arg5[%dma_start3A_29] : memref<15616xi32, #tpu.memory_space<vmem>> -> memref<128xi32, #tpu.memory_space<vmem>>
    %dma_start3A_31 = arith.constant 0 : i32
    %dma_start3A_32 = arith.constant 0 : i32
    %dma_start3A_33 = tpu.memref_slice %arg3[%dma_start3A_31, %dma_start3A_32] : memref<100000x128xf32, #tpu.memory_space<hbm>> -> memref<100000x128xf32, #tpu.memory_space<hbm>>
    tpu.enqueue_indirect_dma source(%dma_start3A_33 : memref<100000x128xf32, #tpu.memory_space<hbm>>) target(%dma_start3A_28 : memref<128x128xf32, #tpu.memory_space<vmem>>) offsets(%dma_start3A_30 : memref<128xi32, #tpu.memory_space<vmem>>) semaphore(%arg8 : memref<!tpu.dma_semaphore, #tpu.memory_space<semaphore_mem>>)
    %scan3A = arith.constant 0 : i32
    %scan3A_34 = arith.constant 0 : i32
    %scan3A_35 = arith.constant 20 : i32
    %scan3A_36 = arith.addi %scan3A_34, %scan3A_35 : i32
    %scan3A_37 = arith.constant 1 : i32
    scf.for %scan3A_96 = %scan3A_34 to %scan3A_36 step %scan3A_37  : i32 {
      %mul3A_97 = arith.constant 2 : i32
      %mul3A_98 = arith.muli %mul3A_97, %scan3A_96 : i32
      %add3A_99 = arith.constant 0 : i32
      %add3A_100 = arith.addi %mul3A_98, %add3A_99 : i32
      %ge3A = arith.constant 1 : i32
      %ge3A_101 = arith.cmpi sge, %add3A_100, %ge3A : i32
      %convert_element_type3A_102 = arith.extui %ge3A_101 : i1 to i32
      %cond3A_103 = arith.constant 0 : i32
      %cond3A_104 = arith.cmpi ne, %convert_element_type3A_102, %cond3A_103 : i32
      scf.if %cond3A_104 {
        %dma_wait3A_190 = arith.constant 1 : i32
        %dma_wait3A_191 = arith.constant 0 : i32
        %dma_wait3A_192 = arith.constant 0 : i32
        %dma_wait3A_193 = tpu.memref_slice %arg6[%dma_wait3A_190, %dma_wait3A_191, %dma_wait3A_192] : memref<2x384x128xf32, #tpu.memory_space<vmem>> -> memref<1x384x128xf32, #tpu.memory_space<vmem>>
        %dma_wait3A_194 = tpu.memref_squeeze %dma_wait3A_193 : memref<1x384x128xf32, #tpu.memory_space<vmem>> -> memref<384x128xf32, #tpu.memory_space<vmem>>
        %dma_wait3A_195 = arith.constant 0 : i32
        %dma_wait3A_196 = arith.constant 0 : i32
        %dma_wait3A_197 = tpu.memref_slice %arg4[%dma_wait3A_195, %dma_wait3A_196] : memref<500000x128xf32, #tpu.memory_space<hbm>> -> memref<384x128xf32, #tpu.memory_space<hbm>>
        %dma_wait3A_198 = arith.constant 0 : i32
        %dma_wait3A_199 = arith.constant 0 : i32
        %dma_wait3A_200 = tpu.memref_slice %arg4[%dma_wait3A_198, %dma_wait3A_199] : memref<500000x128xf32, #tpu.memory_space<hbm>> -> memref<384x128xf32, #tpu.memory_space<hbm>>
        %dma_wait3A_201 = arith.constant 0 : i32
        %dma_wait3A_202 = arith.constant 0 : i32
        %dma_wait3A_203 = tpu.memref_slice %arg6[%dma_wait3A_190, %dma_wait3A_201, %dma_wait3A_202] : memref<2x384x128xf32, #tpu.memory_space<vmem>> -> memref<1x384x128xf32, #tpu.memory_space<vmem>>
        %dma_wait3A_204 = tpu.memref_squeeze %dma_wait3A_203 : memref<1x384x128xf32, #tpu.memory_space<vmem>> -> memref<384x128xf32, #tpu.memory_space<vmem>>
        tpu.wait_dma2 semaphore(%arg11 : memref<!tpu.dma_semaphore, #tpu.memory_space<semaphore_mem>>) src(%dma_wait3A_204 : memref<384x128xf32, #tpu.memory_space<vmem>>) dst(%dma_wait3A_200 : memref<384x128xf32, #tpu.memory_space<hbm>>)
      } else {
      }
      %add3A_105 = arith.constant 1 : i32
      %add3A_106 = arith.addi %add3A_100, %add3A_105 : i32
      %lt3A_107 = arith.constant 40 : i32
      %lt3A_108 = arith.cmpi slt, %add3A_106, %lt3A_107 : i32
      %convert_element_type3A_109 = arith.extui %lt3A_108 : i1 to i32
      %cond3A_110 = arith.constant 0 : i32
      %cond3A_111 = arith.cmpi ne, %convert_element_type3A_109, %cond3A_110 : i32
      scf.if %cond3A_111 {
        %add3A_190 = arith.constant 1 : i32
        %add3A_191 = arith.addi %add3A_100, %add3A_190 : i32
        %mul3A_192 = arith.constant 3 : i32
        %mul3A_193 = arith.muli %add3A_191, %mul3A_192 : i32
        %add3A_194 = arith.constant 0 : i32
        %add3A_195 = arith.addi %mul3A_193, %add3A_194 : i32
        %mul3A_196 = arith.constant 128 : i32
        %mul3A_197 = arith.muli %add3A_195, %mul3A_196 : i32
        %dma_start3A_198 = arith.constant 1 : i32
        %dma_start3A_199 = arith.constant 0 : i32
        %dma_start3A_200 = arith.constant 0 : i32
        %dma_start3A_201 = tpu.memref_slice %arg6[%dma_start3A_198, %dma_start3A_199, %dma_start3A_200] : memref<2x384x128xf32, #tpu.memory_space<vmem>> -> memref<1x128x128xf32, #tpu.memory_space<vmem>>
        %dma_start3A_202 = tpu.memref_squeeze %dma_start3A_201 : memref<1x128x128xf32, #tpu.memory_space<vmem>> -> memref<128x128xf32, #tpu.memory_space<vmem>>
        %dma_start3A_203 = tpu.memref_slice %arg5[%mul3A_197] : memref<15616xi32, #tpu.memory_space<vmem>> -> memref<128xi32, #tpu.memory_space<vmem>>
        %dma_start3A_204 = arith.constant 0 : i32
        %dma_start3A_205 = arith.constant 0 : i32
        %dma_start3A_206 = tpu.memref_slice %arg3[%dma_start3A_204, %dma_start3A_205] : memref<100000x128xf32, #tpu.memory_space<hbm>> -> memref<100000x128xf32, #tpu.memory_space<hbm>>
        tpu.enqueue_indirect_dma source(%dma_start3A_206 : memref<100000x128xf32, #tpu.memory_space<hbm>>) target(%dma_start3A_202 : memref<128x128xf32, #tpu.memory_space<vmem>>) offsets(%dma_start3A_203 : memref<128xi32, #tpu.memory_space<vmem>>) semaphore(%arg9 : memref<!tpu.dma_semaphore, #tpu.memory_space<semaphore_mem>>)
        %mul3A_207 = arith.constant 3 : i32
        %mul3A_208 = arith.muli %add3A_191, %mul3A_207 : i32
        %add3A_209 = arith.constant 1 : i32
        %add3A_210 = arith.addi %mul3A_208, %add3A_209 : i32
        %mul3A_211 = arith.constant 128 : i32
        %mul3A_212 = arith.muli %add3A_210, %mul3A_211 : i32
        %dma_start3A_213 = arith.constant 1 : i32
        %dma_start3A_214 = arith.constant 128 : i32
        %dma_start3A_215 = arith.constant 0 : i32
        %dma_start3A_216 = tpu.memref_slice %arg6[%dma_start3A_213, %dma_start3A_214, %dma_start3A_215] : memref<2x384x128xf32, #tpu.memory_space<vmem>> -> memref<1x128x128xf32, #tpu.memory_space<vmem>>
        %dma_start3A_217 = tpu.memref_squeeze %dma_start3A_216 : memref<1x128x128xf32, #tpu.memory_space<vmem>> -> memref<128x128xf32, #tpu.memory_space<vmem>>
        %dma_start3A_218 = tpu.memref_slice %arg5[%mul3A_212] : memref<15616xi32, #tpu.memory_space<vmem>> -> memref<128xi32, #tpu.memory_space<vmem>>
        %dma_start3A_219 = arith.constant 0 : i32
        %dma_start3A_220 = arith.constant 0 : i32
        %dma_start3A_221 = tpu.memref_slice %arg3[%dma_start3A_219, %dma_start3A_220] : memref<100000x128xf32, #tpu.memory_space<hbm>> -> memref<100000x128xf32, #tpu.memory_space<hbm>>
        tpu.enqueue_indirect_dma source(%dma_start3A_221 : memref<100000x128xf32, #tpu.memory_space<hbm>>) target(%dma_start3A_217 : memref<128x128xf32, #tpu.memory_space<vmem>>) offsets(%dma_start3A_218 : memref<128xi32, #tpu.memory_space<vmem>>) semaphore(%arg9 : memref<!tpu.dma_semaphore, #tpu.memory_space<semaphore_mem>>)
        %mul3A_222 = arith.constant 3 : i32
        %mul3A_223 = arith.muli %add3A_191, %mul3A_222 : i32
        %add3A_224 = arith.constant 2 : i32
        %add3A_225 = arith.addi %mul3A_223, %add3A_224 : i32
        %mul3A_226 = arith.constant 128 : i32
        %mul3A_227 = arith.muli %add3A_225, %mul3A_226 : i32
        %dma_start3A_228 = arith.constant 1 : i32
        %dma_start3A_229 = arith.constant 256 : i32
        %dma_start3A_230 = arith.constant 0 : i32
        %dma_start3A_231 = tpu.memref_slice %arg6[%dma_start3A_228, %dma_start3A_229, %dma_start3A_230] : memref<2x384x128xf32, #tpu.memory_space<vmem>> -> memref<1x128x128xf32, #tpu.memory_space<vmem>>
        %dma_start3A_232 = tpu.memref_squeeze %dma_start3A_231 : memref<1x128x128xf32, #tpu.memory_space<vmem>> -> memref<128x128xf32, #tpu.memory_space<vmem>>
        %dma_start3A_233 = tpu.memref_slice %arg5[%mul3A_227] : memref<15616xi32, #tpu.memory_space<vmem>> -> memref<128xi32, #tpu.memory_space<vmem>>
        %dma_start3A_234 = arith.constant 0 : i32
        %dma_start3A_235 = arith.constant 0 : i32
        %dma_start3A_236 = tpu.memref_slice %arg3[%dma_start3A_234, %dma_start3A_235] : memref<100000x128xf32, #tpu.memory_space<hbm>> -> memref<100000x128xf32, #tpu.memory_space<hbm>>
        tpu.enqueue_indirect_dma source(%dma_start3A_236 : memref<100000x128xf32, #tpu.memory_space<hbm>>) target(%dma_start3A_232 : memref<128x128xf32, #tpu.memory_space<vmem>>) offsets(%dma_start3A_233 : memref<128xi32, #tpu.memory_space<vmem>>) semaphore(%arg9 : memref<!tpu.dma_semaphore, #tpu.memory_space<semaphore_mem>>)
      } else {
      }
      %dma_wait3A_112 = arith.constant 0 : i32
      %dma_wait3A_113 = arith.constant 0 : i32
      %dma_wait3A_114 = arith.constant 0 : i32
      %dma_wait3A_115 = tpu.memref_slice %arg6[%dma_wait3A_112, %dma_wait3A_113, %dma_wait3A_114] : memref<2x384x128xf32, #tpu.memory_space<vmem>> -> memref<1x384x128xf32, #tpu.memory_space<vmem>>
      %dma_wait3A_116 = tpu.memref_squeeze %dma_wait3A_115 : memref<1x384x128xf32, #tpu.memory_space<vmem>> -> memref<384x128xf32, #tpu.memory_space<vmem>>
      %dma_wait3A_117 = arith.constant 0 : i32
      %dma_wait3A_118 = arith.constant 0 : i32
      %dma_wait3A_119 = tpu.memref_slice %arg3[%dma_wait3A_117, %dma_wait3A_118] : memref<100000x128xf32, #tpu.memory_space<hbm>> -> memref<384x128xf32, #tpu.memory_space<hbm>>
      %dma_wait3A_120 = arith.constant 0 : i32
      %dma_wait3A_121 = arith.constant 0 : i32
      %dma_wait3A_122 = tpu.memref_slice %arg6[%dma_wait3A_112, %dma_wait3A_120, %dma_wait3A_121] : memref<2x384x128xf32, #tpu.memory_space<vmem>> -> memref<1x384x128xf32, #tpu.memory_space<vmem>>
      %dma_wait3A_123 = tpu.memref_squeeze %dma_wait3A_122 : memref<1x384x128xf32, #tpu.memory_space<vmem>> -> memref<384x128xf32, #tpu.memory_space<vmem>>
      %dma_wait3A_124 = arith.constant 0 : i32
      %dma_wait3A_125 = arith.constant 0 : i32
      %dma_wait3A_126 = tpu.memref_slice %arg3[%dma_wait3A_124, %dma_wait3A_125] : memref<100000x128xf32, #tpu.memory_space<hbm>> -> memref<384x128xf32, #tpu.memory_space<hbm>>
      tpu.wait_dma2 semaphore(%arg8 : memref<!tpu.dma_semaphore, #tpu.memory_space<semaphore_mem>>) src(%dma_wait3A_126 : memref<384x128xf32, #tpu.memory_space<hbm>>) dst(%dma_wait3A_123 : memref<384x128xf32, #tpu.memory_space<vmem>>)
      %mul3A_127 = arith.constant 384 : i32
      %mul3A_128 = arith.muli %add3A_100, %mul3A_127 : i32
      %add3A_129 = arith.addi %mul3A_4, %mul3A_128 : i32
      %dma_start3A_130 = arith.constant 0 : i32
      %dma_start3A_131 = arith.constant 0 : i32
      %dma_start3A_132 = arith.constant 0 : i32
      %dma_start3A_133 = tpu.memref_slice %arg6[%dma_start3A_130, %dma_start3A_131, %dma_start3A_132] : memref<2x384x128xf32, #tpu.memory_space<vmem>> -> memref<1x384x128xf32, #tpu.memory_space<vmem>>
      %dma_start3A_134 = tpu.memref_squeeze %dma_start3A_133 : memref<1x384x128xf32, #tpu.memory_space<vmem>> -> memref<384x128xf32, #tpu.memory_space<vmem>>
      %dma_start3A_135 = arith.constant 0 : i32
      %dma_start3A_136 = tpu.memref_slice %arg4[%add3A_129, %dma_start3A_135] : memref<500000x128xf32, #tpu.memory_space<hbm>> -> memref<384x128xf32, #tpu.memory_space<hbm>>
      %dma_start3A_137 = arith.constant 0 : i32
      %dma_start3A_138 = tpu.memref_slice %arg4[%add3A_129, %dma_start3A_137] : memref<500000x128xf32, #tpu.memory_space<hbm>> -> memref<384x128xf32, #tpu.memory_space<hbm>>
      %dma_start3A_139 = arith.constant 0 : i32
      %dma_start3A_140 = arith.constant 0 : i32
      %dma_start3A_141 = tpu.memref_slice %arg6[%dma_start3A_130, %dma_start3A_139, %dma_start3A_140] : memref<2x384x128xf32, #tpu.memory_space<vmem>> -> memref<1x384x128xf32, #tpu.memory_space<vmem>>
      %dma_start3A_142 = tpu.memref_squeeze %dma_start3A_141 : memref<1x384x128xf32, #tpu.memory_space<vmem>> -> memref<384x128xf32, #tpu.memory_space<vmem>>
      tpu.enqueue_dma source(%dma_start3A_142 : memref<384x128xf32, #tpu.memory_space<vmem>>) target(%dma_start3A_138 : memref<384x128xf32, #tpu.memory_space<hbm>>) target_semaphore(%arg10 : memref<!tpu.dma_semaphore, #tpu.memory_space<semaphore_mem>>)
      %mul3A_143 = arith.constant 2 : i32
      %mul3A_144 = arith.muli %mul3A_143, %scan3A_96 : i32
      %add3A_145 = arith.constant 1 : i32
      %add3A_146 = arith.addi %mul3A_144, %add3A_145 : i32
      %ge3A_147 = arith.constant 1 : i32
      %ge3A_148 = arith.cmpi sge, %add3A_146, %ge3A_147 : i32
      %convert_element_type3A_149 = arith.extui %ge3A_148 : i1 to i32
      %cond3A_150 = arith.constant 0 : i32
      %cond3A_151 = arith.cmpi ne, %convert_element_type3A_149, %cond3A_150 : i32
      scf.if %cond3A_151 {
        %dma_wait3A_190 = arith.constant 0 : i32
        %dma_wait3A_191 = arith.constant 0 : i32
        %dma_wait3A_192 = arith.constant 0 : i32
        %dma_wait3A_193 = tpu.memref_slice %arg6[%dma_wait3A_190, %dma_wait3A_191, %dma_wait3A_192] : memref<2x384x128xf32, #tpu.memory_space<vmem>> -> memref<1x384x128xf32, #tpu.memory_space<vmem>>
        %dma_wait3A_194 = tpu.memref_squeeze %dma_wait3A_193 : memref<1x384x128xf32, #tpu.memory_space<vmem>> -> memref<384x128xf32, #tpu.memory_space<vmem>>
        %dma_wait3A_195 = arith.constant 0 : i32
        %dma_wait3A_196 = arith.constant 0 : i32
        %dma_wait3A_197 = tpu.memref_slice %arg4[%dma_wait3A_195, %dma_wait3A_196] : memref<500000x128xf32, #tpu.memory_space<hbm>> -> memref<384x128xf32, #tpu.memory_space<hbm>>
        %dma_wait3A_198 = arith.constant 0 : i32
        %dma_wait3A_199 = arith.constant 0 : i32
        %dma_wait3A_200 = tpu.memref_slice %arg4[%dma_wait3A_198, %dma_wait3A_199] : memref<500000x128xf32, #tpu.memory_space<hbm>> -> memref<384x128xf32, #tpu.memory_space<hbm>>
        %dma_wait3A_201 = arith.constant 0 : i32
        %dma_wait3A_202 = arith.constant 0 : i32
        %dma_wait3A_203 = tpu.memref_slice %arg6[%dma_wait3A_190, %dma_wait3A_201, %dma_wait3A_202] : memref<2x384x128xf32, #tpu.memory_space<vmem>> -> memref<1x384x128xf32, #tpu.memory_space<vmem>>
        %dma_wait3A_204 = tpu.memref_squeeze %dma_wait3A_203 : memref<1x384x128xf32, #tpu.memory_space<vmem>> -> memref<384x128xf32, #tpu.memory_space<vmem>>
        tpu.wait_dma2 semaphore(%arg10 : memref<!tpu.dma_semaphore, #tpu.memory_space<semaphore_mem>>) src(%dma_wait3A_204 : memref<384x128xf32, #tpu.memory_space<vmem>>) dst(%dma_wait3A_200 : memref<384x128xf32, #tpu.memory_space<hbm>>)
      } else {
      }
      %add3A_152 = arith.constant 1 : i32
      %add3A_153 = arith.addi %add3A_146, %add3A_152 : i32
      %lt3A_154 = arith.constant 40 : i32
      %lt3A_155 = arith.cmpi slt, %add3A_153, %lt3A_154 : i32
      %convert_element_type3A_156 = arith.extui %lt3A_155 : i1 to i32
      %cond3A_157 = arith.constant 0 : i32
      %cond3A_158 = arith.cmpi ne, %convert_element_type3A_156, %cond3A_157 : i32
      scf.if %cond3A_158 {
        %add3A_190 = arith.constant 1 : i32
        %add3A_191 = arith.addi %add3A_146, %add3A_190 : i32
        %mul3A_192 = arith.constant 3 : i32
        %mul3A_193 = arith.muli %add3A_191, %mul3A_192 : i32
        %add3A_194 = arith.constant 0 : i32
        %add3A_195 = arith.addi %mul3A_193, %add3A_194 : i32
        %mul3A_196 = arith.constant 128 : i32
        %mul3A_197 = arith.muli %add3A_195, %mul3A_196 : i32
        %dma_start3A_198 = arith.constant 0 : i32
        %dma_start3A_199 = arith.constant 0 : i32
        %dma_start3A_200 = arith.constant 0 : i32
        %dma_start3A_201 = tpu.memref_slice %arg6[%dma_start3A_198, %dma_start3A_199, %dma_start3A_200] : memref<2x384x128xf32, #tpu.memory_space<vmem>> -> memref<1x128x128xf32, #tpu.memory_space<vmem>>
        %dma_start3A_202 = tpu.memref_squeeze %dma_start3A_201 : memref<1x128x128xf32, #tpu.memory_space<vmem>> -> memref<128x128xf32, #tpu.memory_space<vmem>>
        %dma_start3A_203 = tpu.memref_slice %arg5[%mul3A_197] : memref<15616xi32, #tpu.memory_space<vmem>> -> memref<128xi32, #tpu.memory_space<vmem>>
        %dma_start3A_204 = arith.constant 0 : i32
        %dma_start3A_205 = arith.constant 0 : i32
        %dma_start3A_206 = tpu.memref_slice %arg3[%dma_start3A_204, %dma_start3A_205] : memref<100000x128xf32, #tpu.memory_space<hbm>> -> memref<100000x128xf32, #tpu.memory_space<hbm>>
        tpu.enqueue_indirect_dma source(%dma_start3A_206 : memref<100000x128xf32, #tpu.memory_space<hbm>>) target(%dma_start3A_202 : memref<128x128xf32, #tpu.memory_space<vmem>>) offsets(%dma_start3A_203 : memref<128xi32, #tpu.memory_space<vmem>>) semaphore(%arg8 : memref<!tpu.dma_semaphore, #tpu.memory_space<semaphore_mem>>)
        %mul3A_207 = arith.constant 3 : i32
        %mul3A_208 = arith.muli %add3A_191, %mul3A_207 : i32
        %add3A_209 = arith.constant 1 : i32
        %add3A_210 = arith.addi %mul3A_208, %add3A_209 : i32
        %mul3A_211 = arith.constant 128 : i32
        %mul3A_212 = arith.muli %add3A_210, %mul3A_211 : i32
        %dma_start3A_213 = arith.constant 0 : i32
        %dma_start3A_214 = arith.constant 128 : i32
        %dma_start3A_215 = arith.constant 0 : i32
        %dma_start3A_216 = tpu.memref_slice %arg6[%dma_start3A_213, %dma_start3A_214, %dma_start3A_215] : memref<2x384x128xf32, #tpu.memory_space<vmem>> -> memref<1x128x128xf32, #tpu.memory_space<vmem>>
        %dma_start3A_217 = tpu.memref_squeeze %dma_start3A_216 : memref<1x128x128xf32, #tpu.memory_space<vmem>> -> memref<128x128xf32, #tpu.memory_space<vmem>>
        %dma_start3A_218 = tpu.memref_slice %arg5[%mul3A_212] : memref<15616xi32, #tpu.memory_space<vmem>> -> memref<128xi32, #tpu.memory_space<vmem>>
        %dma_start3A_219 = arith.constant 0 : i32
        %dma_start3A_220 = arith.constant 0 : i32
        %dma_start3A_221 = tpu.memref_slice %arg3[%dma_start3A_219, %dma_start3A_220] : memref<100000x128xf32, #tpu.memory_space<hbm>> -> memref<100000x128xf32, #tpu.memory_space<hbm>>
        tpu.enqueue_indirect_dma source(%dma_start3A_221 : memref<100000x128xf32, #tpu.memory_space<hbm>>) target(%dma_start3A_217 : memref<128x128xf32, #tpu.memory_space<vmem>>) offsets(%dma_start3A_218 : memref<128xi32, #tpu.memory_space<vmem>>) semaphore(%arg8 : memref<!tpu.dma_semaphore, #tpu.memory_space<semaphore_mem>>)
        %mul3A_222 = arith.constant 3 : i32
        %mul3A_223 = arith.muli %add3A_191, %mul3A_222 : i32
        %add3A_224 = arith.constant 2 : i32
        %add3A_225 = arith.addi %mul3A_223, %add3A_224 : i32
        %mul3A_226 = arith.constant 128 : i32
        %mul3A_227 = arith.muli %add3A_225, %mul3A_226 : i32
        %dma_start3A_228 = arith.constant 0 : i32
        %dma_start3A_229 = arith.constant 256 : i32
        %dma_start3A_230 = arith.constant 0 : i32
        %dma_start3A_231 = tpu.memref_slice %arg6[%dma_start3A_228, %dma_start3A_229, %dma_start3A_230] : memref<2x384x128xf32, #tpu.memory_space<vmem>> -> memref<1x128x128xf32, #tpu.memory_space<vmem>>
        %dma_start3A_232 = tpu.memref_squeeze %dma_start3A_231 : memref<1x128x128xf32, #tpu.memory_space<vmem>> -> memref<128x128xf32, #tpu.memory_space<vmem>>
        %dma_start3A_233 = tpu.memref_slice %arg5[%mul3A_227] : memref<15616xi32, #tpu.memory_space<vmem>> -> memref<128xi32, #tpu.memory_space<vmem>>
        %dma_start3A_234 = arith.constant 0 : i32
        %dma_start3A_235 = arith.constant 0 : i32
        %dma_start3A_236 = tpu.memref_slice %arg3[%dma_start3A_234, %dma_start3A_235] : memref<100000x128xf32, #tpu.memory_space<hbm>> -> memref<100000x128xf32, #tpu.memory_space<hbm>>
        tpu.enqueue_indirect_dma source(%dma_start3A_236 : memref<100000x128xf32, #tpu.memory_space<hbm>>) target(%dma_start3A_232 : memref<128x128xf32, #tpu.memory_space<vmem>>) offsets(%dma_start3A_233 : memref<128xi32, #tpu.memory_space<vmem>>) semaphore(%arg8 : memref<!tpu.dma_semaphore, #tpu.memory_space<semaphore_mem>>)
      } else {
      }
      %dma_wait3A_159 = arith.constant 1 : i32
      %dma_wait3A_160 = arith.constant 0 : i32
      %dma_wait3A_161 = arith.constant 0 : i32
      %dma_wait3A_162 = tpu.memref_slice %arg6[%dma_wait3A_159, %dma_wait3A_160, %dma_wait3A_161] : memref<2x384x128xf32, #tpu.memory_space<vmem>> -> memref<1x384x128xf32, #tpu.memory_space<vmem>>
      %dma_wait3A_163 = tpu.memref_squeeze %dma_wait3A_162 : memref<1x384x128xf32, #tpu.memory_space<vmem>> -> memref<384x128xf32, #tpu.memory_space<vmem>>
      %dma_wait3A_164 = arith.constant 0 : i32
      %dma_wait3A_165 = arith.constant 0 : i32
      %dma_wait3A_166 = tpu.memref_slice %arg3[%dma_wait3A_164, %dma_wait3A_165] : memref<100000x128xf32, #tpu.memory_space<hbm>> -> memref<384x128xf32, #tpu.memory_space<hbm>>
      %dma_wait3A_167 = arith.constant 0 : i32
      %dma_wait3A_168 = arith.constant 0 : i32
      %dma_wait3A_169 = tpu.memref_slice %arg6[%dma_wait3A_159, %dma_wait3A_167, %dma_wait3A_168] : memref<2x384x128xf32, #tpu.memory_space<vmem>> -> memref<1x384x128xf32, #tpu.memory_space<vmem>>
      %dma_wait3A_170 = tpu.memref_squeeze %dma_wait3A_169 : memref<1x384x128xf32, #tpu.memory_space<vmem>> -> memref<384x128xf32, #tpu.memory_space<vmem>>
      %dma_wait3A_171 = arith.constant 0 : i32
      %dma_wait3A_172 = arith.constant 0 : i32
      %dma_wait3A_173 = tpu.memref_slice %arg3[%dma_wait3A_171, %dma_wait3A_172] : memref<100000x128xf32, #tpu.memory_space<hbm>> -> memref<384x128xf32, #tpu.memory_space<hbm>>
      tpu.wait_dma2 semaphore(%arg9 : memref<!tpu.dma_semaphore, #tpu.memory_space<semaphore_mem>>) src(%dma_wait3A_173 : memref<384x128xf32, #tpu.memory_space<hbm>>) dst(%dma_wait3A_170 : memref<384x128xf32, #tpu.memory_space<vmem>>)
      %mul3A_174 = arith.constant 384 : i32
      %mul3A_175 = arith.muli %add3A_146, %mul3A_174 : i32
      %add3A_176 = arith.addi %mul3A_4, %mul3A_175 : i32
      %dma_start3A_177 = arith.constant 1 : i32
      %dma_start3A_178 = arith.constant 0 : i32
      %dma_start3A_179 = arith.constant 0 : i32
      %dma_start3A_180 = tpu.memref_slice %arg6[%dma_start3A_177, %dma_start3A_178, %dma_start3A_179] : memref<2x384x128xf32, #tpu.memory_space<vmem>> -> memref<1x384x128xf32, #tpu.memory_space<vmem>>
      %dma_start3A_181 = tpu.memref_squeeze %dma_start3A_180 : memref<1x384x128xf32, #tpu.memory_space<vmem>> -> memref<384x128xf32, #tpu.memory_space<vmem>>
      %dma_start3A_182 = arith.constant 0 : i32
      %dma_start3A_183 = tpu.memref_slice %arg4[%add3A_176, %dma_start3A_182] : memref<500000x128xf32, #tpu.memory_space<hbm>> -> memref<384x128xf32, #tpu.memory_space<hbm>>
      %dma_start3A_184 = arith.constant 0 : i32
      %dma_start3A_185 = tpu.memref_slice %arg4[%add3A_176, %dma_start3A_184] : memref<500000x128xf32, #tpu.memory_space<hbm>> -> memref<384x128xf32, #tpu.memory_space<hbm>>
      %dma_start3A_186 = arith.constant 0 : i32
      %dma_start3A_187 = arith.constant 0 : i32
      %dma_start3A_188 = tpu.memref_slice %arg6[%dma_start3A_177, %dma_start3A_186, %dma_start3A_187] : memref<2x384x128xf32, #tpu.memory_space<vmem>> -> memref<1x384x128xf32, #tpu.memory_space<vmem>>
      %dma_start3A_189 = tpu.memref_squeeze %dma_start3A_188 : memref<1x384x128xf32, #tpu.memory_space<vmem>> -> memref<384x128xf32, #tpu.memory_space<vmem>>
      tpu.enqueue_dma source(%dma_start3A_189 : memref<384x128xf32, #tpu.memory_space<vmem>>) target(%dma_start3A_185 : memref<384x128xf32, #tpu.memory_space<hbm>>) target_semaphore(%arg11 : memref<!tpu.dma_semaphore, #tpu.memory_space<semaphore_mem>>)
    }
    %scan3A_38 = arith.constant 20 : i32
    %dma_start3A_39 = arith.constant 0 : i32
    %dma_start3A_40 = arith.constant 0 : i32
    %dma_start3A_41 = arith.constant 0 : i32
    %dma_start3A_42 = tpu.memref_slice %arg6[%dma_start3A_39, %dma_start3A_40, %dma_start3A_41] : memref<2x384x128xf32, #tpu.memory_space<vmem>> -> memref<1x128x128xf32, #tpu.memory_space<vmem>>
    %dma_start3A_43 = tpu.memref_squeeze %dma_start3A_42 : memref<1x128x128xf32, #tpu.memory_space<vmem>> -> memref<128x128xf32, #tpu.memory_space<vmem>>
    %dma_start3A_44 = arith.constant 15360 : i32
    %dma_start3A_45 = tpu.memref_slice %arg5[%dma_start3A_44] : memref<15616xi32, #tpu.memory_space<vmem>> -> memref<128xi32, #tpu.memory_space<vmem>>
    %dma_start3A_46 = arith.constant 0 : i32
    %dma_start3A_47 = arith.constant 0 : i32
    %dma_start3A_48 = tpu.memref_slice %arg3[%dma_start3A_46, %dma_start3A_47] : memref<100000x128xf32, #tpu.memory_space<hbm>> -> memref<100000x128xf32, #tpu.memory_space<hbm>>
    tpu.enqueue_indirect_dma source(%dma_start3A_48 : memref<100000x128xf32, #tpu.memory_space<hbm>>) target(%dma_start3A_43 : memref<128x128xf32, #tpu.memory_space<vmem>>) offsets(%dma_start3A_45 : memref<128xi32, #tpu.memory_space<vmem>>) semaphore(%arg8 : memref<!tpu.dma_semaphore, #tpu.memory_space<semaphore_mem>>)
    %dma_start3A_49 = arith.constant 0 : i32
    %dma_start3A_50 = arith.constant 128 : i32
    %dma_start3A_51 = arith.constant 0 : i32
    %dma_start3A_52 = tpu.memref_slice %arg6[%dma_start3A_49, %dma_start3A_50, %dma_start3A_51] : memref<2x384x128xf32, #tpu.memory_space<vmem>> -> memref<1x128x128xf32, #tpu.memory_space<vmem>>
    %dma_start3A_53 = tpu.memref_squeeze %dma_start3A_52 : memref<1x128x128xf32, #tpu.memory_space<vmem>> -> memref<128x128xf32, #tpu.memory_space<vmem>>
    %dma_start3A_54 = arith.constant 15488 : i32
    %dma_start3A_55 = tpu.memref_slice %arg5[%dma_start3A_54] : memref<15616xi32, #tpu.memory_space<vmem>> -> memref<128xi32, #tpu.memory_space<vmem>>
    %dma_start3A_56 = arith.constant 0 : i32
    %dma_start3A_57 = arith.constant 0 : i32
    %dma_start3A_58 = tpu.memref_slice %arg3[%dma_start3A_56, %dma_start3A_57] : memref<100000x128xf32, #tpu.memory_space<hbm>> -> memref<100000x128xf32, #tpu.memory_space<hbm>>
    tpu.enqueue_indirect_dma source(%dma_start3A_58 : memref<100000x128xf32, #tpu.memory_space<hbm>>) target(%dma_start3A_53 : memref<128x128xf32, #tpu.memory_space<vmem>>) offsets(%dma_start3A_55 : memref<128xi32, #tpu.memory_space<vmem>>) semaphore(%arg8 : memref<!tpu.dma_semaphore, #tpu.memory_space<semaphore_mem>>)
    %dma_wait3A = arith.constant 0 : i32
    %dma_wait3A_59 = arith.constant 0 : i32
    %dma_wait3A_60 = arith.constant 0 : i32
    %dma_wait3A_61 = tpu.memref_slice %arg6[%dma_wait3A, %dma_wait3A_59, %dma_wait3A_60] : memref<2x384x128xf32, #tpu.memory_space<vmem>> -> memref<1x256x128xf32, #tpu.memory_space<vmem>>
    %dma_wait3A_62 = tpu.memref_squeeze %dma_wait3A_61 : memref<1x256x128xf32, #tpu.memory_space<vmem>> -> memref<256x128xf32, #tpu.memory_space<vmem>>
    %dma_wait3A_63 = arith.constant 0 : i32
    %dma_wait3A_64 = arith.constant 0 : i32
    %dma_wait3A_65 = tpu.memref_slice %arg3[%dma_wait3A_63, %dma_wait3A_64] : memref<100000x128xf32, #tpu.memory_space<hbm>> -> memref<256x128xf32, #tpu.memory_space<hbm>>
    %dma_wait3A_66 = arith.constant 0 : i32
    %dma_wait3A_67 = arith.constant 0 : i32
    %dma_wait3A_68 = tpu.memref_slice %arg6[%dma_wait3A, %dma_wait3A_66, %dma_wait3A_67] : memref<2x384x128xf32, #tpu.memory_space<vmem>> -> memref<1x256x128xf32, #tpu.memory_space<vmem>>
    %dma_wait3A_69 = tpu.memref_squeeze %dma_wait3A_68 : memref<1x256x128xf32, #tpu.memory_space<vmem>> -> memref<256x128xf32, #tpu.memory_space<vmem>>
    %dma_wait3A_70 = arith.constant 0 : i32
    %dma_wait3A_71 = arith.constant 0 : i32
    %dma_wait3A_72 = tpu.memref_slice %arg3[%dma_wait3A_70, %dma_wait3A_71] : memref<100000x128xf32, #tpu.memory_space<hbm>> -> memref<256x128xf32, #tpu.memory_space<hbm>>
    tpu.wait_dma2 semaphore(%arg8 : memref<!tpu.dma_semaphore, #tpu.memory_space<semaphore_mem>>) src(%dma_wait3A_72 : memref<256x128xf32, #tpu.memory_space<hbm>>) dst(%dma_wait3A_69 : memref<256x128xf32, #tpu.memory_space<vmem>>)
    %add3A_73 = arith.constant 15360 : i32
    %add3A_74 = arith.addi %mul3A_4, %add3A_73 : i32
    %run_scoped3A = arith.constant 0 : i32
    "tpu.region"() ({
      %run_scoped3A_96 = tpu.sem_alloc : memref<!tpu.dma_semaphore, #tpu.memory_space<semaphore_mem>>
      %dma_start3A_97 = arith.constant 0 : i32
      %dma_start3A_98 = arith.constant 0 : i32
      %dma_start3A_99 = tpu.memref_slice %arg6[%run_scoped3A, %dma_start3A_97, %dma_start3A_98] : memref<2x384x128xf32, #tpu.memory_space<vmem>> -> memref<1x256x128xf32, #tpu.memory_space<vmem>>
      %dma_start3A_100 = tpu.memref_squeeze %dma_start3A_99 : memref<1x256x128xf32, #tpu.memory_space<vmem>> -> memref<256x128xf32, #tpu.memory_space<vmem>>
      %dma_start3A_101 = arith.constant 0 : i32
      %dma_start3A_102 = tpu.memref_slice %arg4[%add3A_74, %dma_start3A_101] : memref<500000x128xf32, #tpu.memory_space<hbm>> -> memref<256x128xf32, #tpu.memory_space<hbm>>
      %dma_start3A_103 = arith.constant 0 : i32
      %dma_start3A_104 = tpu.memref_slice %arg4[%add3A_74, %dma_start3A_103] : memref<500000x128xf32, #tpu.memory_space<hbm>> -> memref<256x128xf32, #tpu.memory_space<hbm>>
      %dma_start3A_105 = arith.constant 0 : i32
      %dma_start3A_106 = arith.constant 0 : i32
      %dma_start3A_107 = tpu.memref_slice %arg6[%run_scoped3A, %dma_start3A_105, %dma_start3A_106] : memref<2x384x128xf32, #tpu.memory_space<vmem>> -> memref<1x256x128xf32, #tpu.memory_space<vmem>>
      %dma_start3A_108 = tpu.memref_squeeze %dma_start3A_107 : memref<1x256x128xf32, #tpu.memory_space<vmem>> -> memref<256x128xf32, #tpu.memory_space<vmem>>
      tpu.enqueue_dma source(%dma_start3A_108 : memref<256x128xf32, #tpu.memory_space<vmem>>) target(%dma_start3A_104 : memref<256x128xf32, #tpu.memory_space<hbm>>) target_semaphore(%run_scoped3A_96 : memref<!tpu.dma_semaphore, #tpu.memory_space<semaphore_mem>>)
      %dma_wait3A_109 = arith.constant 0 : i32
      %dma_wait3A_110 = arith.constant 0 : i32
      %dma_wait3A_111 = tpu.memref_slice %arg6[%run_scoped3A, %dma_wait3A_109, %dma_wait3A_110] : memref<2x384x128xf32, #tpu.memory_space<vmem>> -> memref<1x256x128xf32, #tpu.memory_space<vmem>>
      %dma_wait3A_112 = tpu.memref_squeeze %dma_wait3A_111 : memref<1x256x128xf32, #tpu.memory_space<vmem>> -> memref<256x128xf32, #tpu.memory_space<vmem>>
      %dma_wait3A_113 = arith.constant 0 : i32
      %dma_wait3A_114 = tpu.memref_slice %arg4[%add3A_74, %dma_wait3A_113] : memref<500000x128xf32, #tpu.memory_space<hbm>> -> memref<256x128xf32, #tpu.memory_space<hbm>>
      %dma_wait3A_115 = arith.constant 0 : i32
      %dma_wait3A_116 = tpu.memref_slice %arg4[%add3A_74, %dma_wait3A_115] : memref<500000x128xf32, #tpu.memory_space<hbm>> -> memref<256x128xf32, #tpu.memory_space<hbm>>
      %dma_wait3A_117 = arith.constant 0 : i32
      %dma_wait3A_118 = arith.constant 0 : i32
      %dma_wait3A_119 = tpu.memref_slice %arg6[%run_scoped3A, %dma_wait3A_117, %dma_wait3A_118] : memref<2x384x128xf32, #tpu.memory_space<vmem>> -> memref<1x256x128xf32, #tpu.memory_space<vmem>>
      %dma_wait3A_120 = tpu.memref_squeeze %dma_wait3A_119 : memref<1x256x128xf32, #tpu.memory_space<vmem>> -> memref<256x128xf32, #tpu.memory_space<vmem>>
      tpu.wait_dma2 semaphore(%run_scoped3A_96 : memref<!tpu.dma_semaphore, #tpu.memory_space<semaphore_mem>>) src(%dma_wait3A_120 : memref<256x128xf32, #tpu.memory_space<vmem>>) dst(%dma_wait3A_116 : memref<256x128xf32, #tpu.memory_space<hbm>>)
      tpu.yield
    }) : () -> ()
    %dma_wait3A_75 = arith.constant 1 : i32
    %dma_wait3A_76 = arith.constant 0 : i32
    %dma_wait3A_77 = arith.constant 0 : i32
    %dma_wait3A_78 = tpu.memref_slice %arg6[%dma_wait3A_75, %dma_wait3A_76, %dma_wait3A_77] : memref<2x384x128xf32, #tpu.memory_space<vmem>> -> memref<1x384x128xf32, #tpu.memory_space<vmem>>
    %dma_wait3A_79 = tpu.memref_squeeze %dma_wait3A_78 : memref<1x384x128xf32, #tpu.memory_space<vmem>> -> memref<384x128xf32, #tpu.memory_space<vmem>>
    %dma_wait3A_80 = arith.constant 0 : i32
    %dma_wait3A_81 = arith.constant 0 : i32
    %dma_wait3A_82 = tpu.memref_slice %arg4[%dma_wait3A_80, %dma_wait3A_81] : memref<500000x128xf32, #tpu.memory_space<hbm>> -> memref<384x128xf32, #tpu.memory_space<hbm>>
    %dma_wait3A_83 = arith.constant 0 : i32
    %dma_wait3A_84 = arith.constant 0 : i32
    %dma_wait3A_85 = tpu.memref_slice %arg4[%dma_wait3A_83, %dma_wait3A_84] : memref<500000x128xf32, #tpu.memory_space<hbm>> -> memref<384x128xf32, #tpu.memory_space<hbm>>
    %dma_wait3A_86 = arith.constant 0 : i32
    %dma_wait3A_87 = arith.constant 0 : i32
    %dma_wait3A_88 = tpu.memref_slice %arg6[%dma_wait3A_75, %dma_wait3A_86, %dma_wait3A_87] : memref<2x384x128xf32, #tpu.memory_space<vmem>> -> memref<1x384x128xf32, #tpu.memory_space<vmem>>
    %dma_wait3A_89 = tpu.memref_squeeze %dma_wait3A_88 : memref<1x384x128xf32, #tpu.memory_space<vmem>> -> memref<384x128xf32, #tpu.memory_space<vmem>>
    tpu.wait_dma2 semaphore(%arg11 : memref<!tpu.dma_semaphore, #tpu.memory_space<semaphore_mem>>) src(%dma_wait3A_89 : memref<384x128xf32, #tpu.memory_space<vmem>>) dst(%dma_wait3A_85 : memref<384x128xf32, #tpu.memory_space<hbm>>)
    %lt3A = arith.constant 2 : i32
    %lt3A_90 = arith.cmpi slt, %add3A, %lt3A : i32
    %convert_element_type3A = arith.extui %lt3A_90 : i1 to i32
    %cond3A = arith.constant 0 : i32
    %cond3A_91 = arith.cmpi ne, %convert_element_type3A, %cond3A : i32
    scf.if %cond3A_91 {
      %mul3A_96 = arith.constant 128 : i32
      %mul3A_97 = arith.muli %add3A, %mul3A_96 : i32
      %add3A_98 = arith.constant 499712 : i32
      %add3A_99 = arith.addi %add3A_98, %mul3A_97 : i32
      "tpu.region"() ({
        %run_scoped3A_117 = tpu.sem_alloc : memref<!tpu.dma_semaphore, #tpu.memory_space<semaphore_mem>>
        %dma_start3A_118 = tpu.memref_slice %arg2[%add3A_99] : memref<500000xi32, #tpu.memory_space<hbm>> -> memref<128xi32, #tpu.memory_space<hbm>>
        %dma_start3A_119 = tpu.memref_slice %arg2[%add3A_99] : memref<500000xi32, #tpu.memory_space<hbm>> -> memref<128xi32, #tpu.memory_space<hbm>>
        tpu.enqueue_dma source(%dma_start3A_119 : memref<128xi32, #tpu.memory_space<hbm>>) target(%arg7 : memref<128xi32, #tpu.memory_space<vmem>>) target_semaphore(%run_scoped3A_117 : memref<!tpu.dma_semaphore, #tpu.memory_space<semaphore_mem>>)
        %dma_wait3A_120 = tpu.memref_slice %arg2[%add3A_99] : memref<500000xi32, #tpu.memory_space<hbm>> -> memref<128xi32, #tpu.memory_space<hbm>>
        %dma_wait3A_121 = tpu.memref_slice %arg2[%add3A_99] : memref<500000xi32, #tpu.memory_space<hbm>> -> memref<128xi32, #tpu.memory_space<hbm>>
        tpu.wait_dma2 semaphore(%run_scoped3A_117 : memref<!tpu.dma_semaphore, #tpu.memory_space<semaphore_mem>>) src(%dma_wait3A_121 : memref<128xi32, #tpu.memory_space<hbm>>) dst(%arg7 : memref<128xi32, #tpu.memory_space<vmem>>)
        tpu.yield
      }) : () -> ()
      %dma_start3A_100 = arith.constant 0 : i32
      %dma_start3A_101 = arith.constant 0 : i32
      %dma_start3A_102 = arith.constant 0 : i32
      %dma_start3A_103 = tpu.memref_slice %arg6[%dma_start3A_100, %dma_start3A_101, %dma_start3A_102] : memref<2x384x128xf32, #tpu.memory_space<vmem>> -> memref<1x128x128xf32, #tpu.memory_space<vmem>>
      %dma_start3A_104 = tpu.memref_squeeze %dma_start3A_103 : memref<1x128x128xf32, #tpu.memory_space<vmem>> -> memref<128x128xf32, #tpu.memory_space<vmem>>
      %dma_start3A_105 = arith.constant 0 : i32
      %dma_start3A_106 = arith.constant 0 : i32
      %dma_start3A_107 = tpu.memref_slice %arg3[%dma_start3A_105, %dma_start3A_106] : memref<100000x128xf32, #tpu.memory_space<hbm>> -> memref<100000x128xf32, #tpu.memory_space<hbm>>
      tpu.enqueue_indirect_dma source(%dma_start3A_107 : memref<100000x128xf32, #tpu.memory_space<hbm>>) target(%dma_start3A_104 : memref<128x128xf32, #tpu.memory_space<vmem>>) offsets(%arg7 : memref<128xi32, #tpu.memory_space<vmem>>) semaphore(%arg8 : memref<!tpu.dma_semaphore, #tpu.memory_space<semaphore_mem>>)
      %dma_wait3A_108 = arith.constant 0 : i32
      %dma_wait3A_109 = arith.constant 0 : i32
      %dma_wait3A_110 = arith.constant 0 : i32
      %dma_wait3A_111 = tpu.memref_slice %arg6[%dma_wait3A_108, %dma_wait3A_109, %dma_wait3A_110] : memref<2x384x128xf32, #tpu.memory_space<vmem>> -> memref<1x128x128xf32, #tpu.memory_space<vmem>>
      %dma_wait3A_112 = tpu.memref_squeeze %dma_wait3A_111 : memref<1x128x128xf32, #tpu.memory_space<vmem>> -> memref<128x128xf32, #tpu.memory_space<vmem>>
      %dma_wait3A_113 = arith.constant 0 : i32
      %dma_wait3A_114 = arith.constant 0 : i32
      %dma_wait3A_115 = tpu.memref_slice %arg3[%dma_wait3A_113, %dma_wait3A_114] : memref<100000x128xf32, #tpu.memory_space<hbm>> -> memref<100000x128xf32, #tpu.memory_space<hbm>>
      tpu.wait_indirect_dma semaphore(%arg8 : memref<!tpu.dma_semaphore, #tpu.memory_space<semaphore_mem>>) src(%dma_wait3A_115 : memref<100000x128xf32, #tpu.memory_space<hbm>>) dst(%dma_wait3A_112 : memref<128x128xf32, #tpu.memory_space<vmem>>)
      %run_scoped3A_116 = arith.constant 0 : i32
      "tpu.region"() ({
        %run_scoped3A_117 = tpu.sem_alloc : memref<!tpu.dma_semaphore, #tpu.memory_space<semaphore_mem>>
        %dma_start3A_118 = arith.constant 0 : i32
        %dma_start3A_119 = arith.constant 0 : i32
        %dma_start3A_120 = tpu.memref_slice %arg6[%run_scoped3A_116, %dma_start3A_118, %dma_start3A_119] : memref<2x384x128xf32, #tpu.memory_space<vmem>> -> memref<1x128x128xf32, #tpu.memory_space<vmem>>
        %dma_start3A_121 = tpu.memref_squeeze %dma_start3A_120 : memref<1x128x128xf32, #tpu.memory_space<vmem>> -> memref<128x128xf32, #tpu.memory_space<vmem>>
        %dma_start3A_122 = arith.constant 0 : i32
        %dma_start3A_123 = tpu.memref_slice %arg4[%add3A_99, %dma_start3A_122] : memref<500000x128xf32, #tpu.memory_space<hbm>> -> memref<128x128xf32, #tpu.memory_space<hbm>>
        %dma_start3A_124 = arith.constant 0 : i32
        %dma_start3A_125 = tpu.memref_slice %arg4[%add3A_99, %dma_start3A_124] : memref<500000x128xf32, #tpu.memory_space<hbm>> -> memref<128x128xf32, #tpu.memory_space<hbm>>
        %dma_start3A_126 = arith.constant 0 : i32
        %dma_start3A_127 = arith.constant 0 : i32
        %dma_start3A_128 = tpu.memref_slice %arg6[%run_scoped3A_116, %dma_start3A_126, %dma_start3A_127] : memref<2x384x128xf32, #tpu.memory_space<vmem>> -> memref<1x128x128xf32, #tpu.memory_space<vmem>>
        %dma_start3A_129 = tpu.memref_squeeze %dma_start3A_128 : memref<1x128x128xf32, #tpu.memory_space<vmem>> -> memref<128x128xf32, #tpu.memory_space<vmem>>
        tpu.enqueue_dma source(%dma_start3A_129 : memref<128x128xf32, #tpu.memory_space<vmem>>) target(%dma_start3A_125 : memref<128x128xf32, #tpu.memory_space<hbm>>) target_semaphore(%run_scoped3A_117 : memref<!tpu.dma_semaphore, #tpu.memory_space<semaphore_mem>>)
        %dma_wait3A_130 = arith.constant 0 : i32
        %dma_wait3A_131 = arith.constant 0 : i32
        %dma_wait3A_132 = tpu.memref_slice %arg6[%run_scoped3A_116, %dma_wait3A_130, %dma_wait3A_131] : memref<2x384x128xf32, #tpu.memory_space<vmem>> -> memref<1x128x128xf32, #tpu.memory_space<vmem>>
        %dma_wait3A_133 = tpu.memref_squeeze %dma_wait3A_132 : memref<1x128x128xf32, #tpu.memory_space<vmem>> -> memref<128x128xf32, #tpu.memory_space<vmem>>
        %dma_wait3A_134 = arith.constant 0 : i32
        %dma_wait3A_135 = tpu.memref_slice %arg4[%add3A_99, %dma_wait3A_134] : memref<500000x128xf32, #tpu.memory_space<hbm>> -> memref<128x128xf32, #tpu.memory_space<hbm>>
        %dma_wait3A_136 = arith.constant 0 : i32
        %dma_wait3A_137 = tpu.memref_slice %arg4[%add3A_99, %dma_wait3A_136] : memref<500000x128xf32, #tpu.memory_space<hbm>> -> memref<128x128xf32, #tpu.memory_space<hbm>>
        %dma_wait3A_138 = arith.constant 0 : i32
        %dma_wait3A_139 = arith.constant 0 : i32
        %dma_wait3A_140 = tpu.memref_slice %arg6[%run_scoped3A_116, %dma_wait3A_138, %dma_wait3A_139] : memref<2x384x128xf32, #tpu.memory_space<vmem>> -> memref<1x128x128xf32, #tpu.memory_space<vmem>>
        %dma_wait3A_141 = tpu.memref_squeeze %dma_wait3A_140 : memref<1x128x128xf32, #tpu.memory_space<vmem>> -> memref<128x128xf32, #tpu.memory_space<vmem>>
        tpu.wait_dma2 semaphore(%run_scoped3A_117 : memref<!tpu.dma_semaphore, #tpu.memory_space<semaphore_mem>>) src(%dma_wait3A_141 : memref<128x128xf32, #tpu.memory_space<vmem>>) dst(%dma_wait3A_137 : memref<128x128xf32, #tpu.memory_space<hbm>>)
        tpu.yield
      }) : () -> ()
    } else {
    }
    %eq3A = arith.constant 2 : i32
    %eq3A_92 = arith.cmpi eq, %add3A, %eq3A : i32
    %convert_element_type3A_93 = arith.extui %eq3A_92 : i1 to i32
    %cond3A_94 = arith.constant 0 : i32
    %cond3A_95 = arith.cmpi ne, %convert_element_type3A_93, %cond3A_94 : i32
    scf.if %cond3A_95 {
      "tpu.region"() ({
        %run_scoped3A_117 = tpu.sem_alloc : memref<!tpu.dma_semaphore, #tpu.memory_space<semaphore_mem>>
        %dma_start3A_118 = arith.constant 0 : i32
        %dma_start3A_119 = tpu.memref_slice %arg7[%dma_start3A_118] : memref<128xi32, #tpu.memory_space<vmem>> -> memref<32xi32, #tpu.memory_space<vmem>>
        %dma_start3A_120 = arith.constant 499968 : i32
        %dma_start3A_121 = tpu.memref_slice %arg2[%dma_start3A_120] : memref<500000xi32, #tpu.memory_space<hbm>> -> memref<32xi32, #tpu.memory_space<hbm>>
        %dma_start3A_122 = arith.constant 0 : i32
        %dma_start3A_123 = tpu.memref_slice %arg7[%dma_start3A_122] : memref<128xi32, #tpu.memory_space<vmem>> -> memref<32xi32, #tpu.memory_space<vmem>>
        %dma_start3A_124 = arith.constant 499968 : i32
        %dma_start3A_125 = tpu.memref_slice %arg2[%dma_start3A_124] : memref<500000xi32, #tpu.memory_space<hbm>> -> memref<32xi32, #tpu.memory_space<hbm>>
        tpu.enqueue_dma source(%dma_start3A_125 : memref<32xi32, #tpu.memory_space<hbm>>) target(%dma_start3A_123 : memref<32xi32, #tpu.memory_space<vmem>>) target_semaphore(%run_scoped3A_117 : memref<!tpu.dma_semaphore, #tpu.memory_space<semaphore_mem>>)
        %dma_wait3A_126 = arith.constant 0 : i32
        %dma_wait3A_127 = tpu.memref_slice %arg7[%dma_wait3A_126] : memref<128xi32, #tpu.memory_space<vmem>> -> memref<32xi32, #tpu.memory_space<vmem>>
        %dma_wait3A_128 = arith.constant 499968 : i32
        %dma_wait3A_129 = tpu.memref_slice %arg2[%dma_wait3A_128] : memref<500000xi32, #tpu.memory_space<hbm>> -> memref<32xi32, #tpu.memory_space<hbm>>
        %dma_wait3A_130 = arith.constant 0 : i32
        %dma_wait3A_131 = tpu.memref_slice %arg7[%dma_wait3A_130] : memref<128xi32, #tpu.memory_space<vmem>> -> memref<32xi32, #tpu.memory_space<vmem>>
        %dma_wait3A_132 = arith.constant 499968 : i32
        %dma_wait3A_133 = tpu.memref_slice %arg2[%dma_wait3A_132] : memref<500000xi32, #tpu.memory_space<hbm>> -> memref<32xi32, #tpu.memory_space<hbm>>
        tpu.wait_dma2 semaphore(%run_scoped3A_117 : memref<!tpu.dma_semaphore, #tpu.memory_space<semaphore_mem>>) src(%dma_wait3A_133 : memref<32xi32, #tpu.memory_space<hbm>>) dst(%dma_wait3A_131 : memref<32xi32, #tpu.memory_space<vmem>>)
        tpu.yield
      }) : () -> ()
      %dma_start3A_96 = arith.constant 0 : i32
      %dma_start3A_97 = arith.constant 0 : i32
      %dma_start3A_98 = arith.constant 0 : i32
      %dma_start3A_99 = tpu.memref_slice %arg6[%dma_start3A_96, %dma_start3A_97, %dma_start3A_98] : memref<2x384x128xf32, #tpu.memory_space<vmem>> -> memref<1x32x128xf32, #tpu.memory_space<vmem>>
      %dma_start3A_100 = tpu.memref_squeeze %dma_start3A_99 : memref<1x32x128xf32, #tpu.memory_space<vmem>> -> memref<32x128xf32, #tpu.memory_space<vmem>>
      %dma_start3A_101 = arith.constant 0 : i32
      %dma_start3A_102 = tpu.memref_slice %arg7[%dma_start3A_101] : memref<128xi32, #tpu.memory_space<vmem>> -> memref<32xi32, #tpu.memory_space<vmem>>
      %dma_start3A_103 = arith.constant 0 : i32
      %dma_start3A_104 = arith.constant 0 : i32
      %dma_start3A_105 = tpu.memref_slice %arg3[%dma_start3A_103, %dma_start3A_104] : memref<100000x128xf32, #tpu.memory_space<hbm>> -> memref<100000x128xf32, #tpu.memory_space<hbm>>
      tpu.enqueue_indirect_dma source(%dma_start3A_105 : memref<100000x128xf32, #tpu.memory_space<hbm>>) target(%dma_start3A_100 : memref<32x128xf32, #tpu.memory_space<vmem>>) offsets(%dma_start3A_102 : memref<32xi32, #tpu.memory_space<vmem>>) semaphore(%arg8 : memref<!tpu.dma_semaphore, #tpu.memory_space<semaphore_mem>>)
      %dma_wait3A_106 = arith.constant 0 : i32
      %dma_wait3A_107 = arith.constant 0 : i32
      %dma_wait3A_108 = arith.constant 0 : i32
      %dma_wait3A_109 = tpu.memref_slice %arg6[%dma_wait3A_106, %dma_wait3A_107, %dma_wait3A_108] : memref<2x384x128xf32, #tpu.memory_space<vmem>> -> memref<1x32x128xf32, #tpu.memory_space<vmem>>
      %dma_wait3A_110 = tpu.memref_squeeze %dma_wait3A_109 : memref<1x32x128xf32, #tpu.memory_space<vmem>> -> memref<32x128xf32, #tpu.memory_space<vmem>>
      %dma_wait3A_111 = arith.constant 0 : i32
      %dma_wait3A_112 = tpu.memref_slice %arg7[%dma_wait3A_111] : memref<128xi32, #tpu.memory_space<vmem>> -> memref<32xi32, #tpu.memory_space<vmem>>
      %dma_wait3A_113 = arith.constant 0 : i32
      %dma_wait3A_114 = arith.constant 0 : i32
      %dma_wait3A_115 = tpu.memref_slice %arg3[%dma_wait3A_113, %dma_wait3A_114] : memref<100000x128xf32, #tpu.memory_space<hbm>> -> memref<100000x128xf32, #tpu.memory_space<hbm>>
      tpu.wait_indirect_dma semaphore(%arg8 : memref<!tpu.dma_semaphore, #tpu.memory_space<semaphore_mem>>) src(%dma_wait3A_115 : memref<100000x128xf32, #tpu.memory_space<hbm>>) dst(%dma_wait3A_110 : memref<32x128xf32, #tpu.memory_space<vmem>>)
      %run_scoped3A_116 = arith.constant 0 : i32
      "tpu.region"() ({
        %run_scoped3A_117 = tpu.sem_alloc : memref<!tpu.dma_semaphore, #tpu.memory_space<semaphore_mem>>
        %dma_start3A_118 = arith.constant 0 : i32
        %dma_start3A_119 = arith.constant 0 : i32
        %dma_start3A_120 = tpu.memref_slice %arg6[%run_scoped3A_116, %dma_start3A_118, %dma_start3A_119] : memref<2x384x128xf32, #tpu.memory_space<vmem>> -> memref<1x32x128xf32, #tpu.memory_space<vmem>>
        %dma_start3A_121 = tpu.memref_squeeze %dma_start3A_120 : memref<1x32x128xf32, #tpu.memory_space<vmem>> -> memref<32x128xf32, #tpu.memory_space<vmem>>
        %dma_start3A_122 = arith.constant 499968 : i32
        %dma_start3A_123 = arith.constant 0 : i32
        %dma_start3A_124 = tpu.memref_slice %arg4[%dma_start3A_122, %dma_start3A_123] : memref<500000x128xf32, #tpu.memory_space<hbm>> -> memref<32x128xf32, #tpu.memory_space<hbm>>
        %dma_start3A_125 = arith.constant 499968 : i32
        %dma_start3A_126 = arith.constant 0 : i32
        %dma_start3A_127 = tpu.memref_slice %arg4[%dma_start3A_125, %dma_start3A_126] : memref<500000x128xf32, #tpu.memory_space<hbm>> -> memref<32x128xf32, #tpu.memory_space<hbm>>
        %dma_start3A_128 = arith.constant 0 : i32
        %dma_start3A_129 = arith.constant 0 : i32
        %dma_start3A_130 = tpu.memref_slice %arg6[%run_scoped3A_116, %dma_start3A_128, %dma_start3A_129] : memref<2x384x128xf32, #tpu.memory_space<vmem>> -> memref<1x32x128xf32, #tpu.memory_space<vmem>>
        %dma_start3A_131 = tpu.memref_squeeze %dma_start3A_130 : memref<1x32x128xf32, #tpu.memory_space<vmem>> -> memref<32x128xf32, #tpu.memory_space<vmem>>
        tpu.enqueue_dma source(%dma_start3A_131 : memref<32x128xf32, #tpu.memory_space<vmem>>) target(%dma_start3A_127 : memref<32x128xf32, #tpu.memory_space<hbm>>) target_semaphore(%run_scoped3A_117 : memref<!tpu.dma_semaphore, #tpu.memory_space<semaphore_mem>>)
        %dma_wait3A_132 = arith.constant 0 : i32
        %dma_wait3A_133 = arith.constant 0 : i32
        %dma_wait3A_134 = tpu.memref_slice %arg6[%run_scoped3A_116, %dma_wait3A_132, %dma_wait3A_133] : memref<2x384x128xf32, #tpu.memory_space<vmem>> -> memref<1x32x128xf32, #tpu.memory_space<vmem>>
        %dma_wait3A_135 = tpu.memref_squeeze %dma_wait3A_134 : memref<1x32x128xf32, #tpu.memory_space<vmem>> -> memref<32x128xf32, #tpu.memory_space<vmem>>
        %dma_wait3A_136 = arith.constant 499968 : i32
        %dma_wait3A_137 = arith.constant 0 : i32
        %dma_wait3A_138 = tpu.memref_slice %arg4[%dma_wait3A_136, %dma_wait3A_137] : memref<500000x128xf32, #tpu.memory_space<hbm>> -> memref<32x128xf32, #tpu.memory_space<hbm>>
        %dma_wait3A_139 = arith.constant 499968 : i32
        %dma_wait3A_140 = arith.constant 0 : i32
        %dma_wait3A_141 = tpu.memref_slice %arg4[%dma_wait3A_139, %dma_wait3A_140] : memref<500000x128xf32, #tpu.memory_space<hbm>> -> memref<32x128xf32, #tpu.memory_space<hbm>>
        %dma_wait3A_142 = arith.constant 0 : i32
        %dma_wait3A_143 = arith.constant 0 : i32
        %dma_wait3A_144 = tpu.memref_slice %arg6[%run_scoped3A_116, %dma_wait3A_142, %dma_wait3A_143] : memref<2x384x128xf32, #tpu.memory_space<vmem>> -> memref<1x32x128xf32, #tpu.memory_space<vmem>>
        %dma_wait3A_145 = tpu.memref_squeeze %dma_wait3A_144 : memref<1x32x128xf32, #tpu.memory_space<vmem>> -> memref<32x128xf32, #tpu.memory_space<vmem>>
        tpu.wait_dma2 semaphore(%run_scoped3A_117 : memref<!tpu.dma_semaphore, #tpu.memory_space<semaphore_mem>>) src(%dma_wait3A_145 : memref<32x128xf32, #tpu.memory_space<vmem>>) dst(%dma_wait3A_141 : memref<32x128xf32, #tpu.memory_space<hbm>>)
        tpu.yield
      }) : () -> ()
    } else {
    }
    return
  }
}

module attributes {stable_mosaic.version = 14 : i64} {
  func.func @_transform_body(%arg0: i32, %arg1: memref<10000x128xf32, #tpu.memory_space<vmem>>, %arg2: memref<128x128xf32, #tpu.memory_space<vmem>>, %arg3: memref<1x128xf32, #tpu.memory_space<vmem>>, %arg4: memref<10000x128xf32, #tpu.memory_space<vmem>>) attributes {dimension_semantics = [#tpu.dimension_semantics<arbitrary>], iteration_bounds = array<i64: 10>, scalar_prefetch = 0 : i64, scratch_operands = 0 : i64, tpu.core_type = #tpu.core_type<tc>, window_params = [{transform_indices = @transform_0, window_bounds = array<i64: 10000, 128>}, {pipeline_mode = #tpu.pipeline_mode<synchronous>, transform_indices = @transform_1, window_bounds = array<i64: 128, 128>}, {pipeline_mode = #tpu.pipeline_mode<synchronous>, transform_indices = @transform_2, window_bounds = array<i64: 1, 128>}, {transform_indices = @transform_3, window_bounds = array<i64: 10000, 128>}]} {
    %get3A = arith.constant 0 : index
    %get3A_0 = arith.constant 0 : index
    %get3A_1 = vector.load %arg1[%get3A, %get3A_0] : memref<10000x128xf32, #tpu.memory_space<vmem>>, vector<10000x128xf32>
    %get3A_2 = arith.constant 0 : index
    %get3A_3 = arith.constant 0 : index
    %get3A_4 = vector.load %arg2[%get3A_2, %get3A_3] : memref<128x128xf32, #tpu.memory_space<vmem>>, vector<128x128xf32>
    %dot_general3A = arith.constant dense<0.000000e+00> : vector<10000x128xf32>
    %dot_general3A_5 = tpu.matmul %get3A_1, %get3A_4, %dot_general3A {dimension_numbers = #tpu.dot_dimension_numbers<[1], [0], [0], [1], [0, 0, 1, 1], [], []>, transpose_lhs_hint = false} : vector<10000x128xf32>, vector<128x128xf32>, vector<10000x128xf32> -> vector<10000x128xf32>
    %get3A_6 = arith.constant 0 : index
    %get3A_7 = arith.constant 0 : index
    %get3A_8 = vector.load %arg3[%get3A_6, %get3A_7] : memref<1x128xf32, #tpu.memory_space<vmem>>, vector<1x128xf32>
    %add3A = vector.broadcast %get3A_8 : vector<1x128xf32> to vector<10000x128xf32>
    %add3A_9 = arith.addf %dot_general3A_5, %add3A : vector<10000x128xf32>
    %swap3A = arith.constant 0 : index
    %swap3A_10 = arith.constant 0 : index
    %swap3A_11 = vector.load %arg4[%swap3A, %swap3A_10] : memref<10000x128xf32, #tpu.memory_space<vmem>>, vector<10000x128xf32>
    tpu.vector_store %arg4[%swap3A, %swap3A_10], %add3A_9 {strides = array<i32>} : memref<10000x128xf32, #tpu.memory_space<vmem>>, vector<10000x128xf32>,
    return
  }
  func.func @transform_0(%arg0: i32) -> (i32, i32) {
    %c0_i32 = arith.constant 0 : i32
    %c0_i32_0 = arith.constant 0 : i32
    return %arg0, %c0_i32 : i32, i32
  }
  func.func @transform_1(%arg0: i32) -> (i32, i32) {
    %c0_i32 = arith.constant 0 : i32
    %c0_i32_0 = arith.constant 0 : i32
    %c0_i32_1 = arith.constant 0 : i32
    return %c0_i32, %c0_i32_0 : i32, i32
  }
  func.func @transform_2(%arg0: i32) -> (i32, i32) {
    %c0_i32 = arith.constant 0 : i32
    %c0_i32_0 = arith.constant 0 : i32
    %c0_i32_1 = arith.constant 0 : i32
    return %c0_i32, %c0_i32_0 : i32, i32
  }
  func.func @transform_3(%arg0: i32) -> (i32, i32) {
    %c0_i32 = arith.constant 0 : i32
    %c0_i32_0 = arith.constant 0 : i32
    return %arg0, %c0_i32 : i32, i32
  }
}

</mosaic_0001>

<sc_bundles>
// kernel: kernel.4.cloned.1.call-start
scs
__scs_entry_jumppad:
0x0: {  	(pc) =	sbr.rel $0x88, $3  }
0x1: {  	(tag) =	ssettag $0x0;
	lr =	simm.s32 $0x1  }
0x2: {  	[smem:$0x3F9D] =	sst lr;
	_ =	strace $0xD0000000  }
0x3: {  	_ = 	snop  }
0x4: {  	_ = 	snop  }
0x5: {  	_ = 	snop  }
0x6: {  	_ = 	snop  }
0x7: {  	_ = 	snop  }
__scs_overlays_trampoline_lowered:
0x8: {  	[smem:$0x3FAC] =	sst s0  }
0x9: {  	[smem:$0x3FAD] =	sst s1  }
0xa: {  	[smem:$0x3FAE] =	sst s2  }
0xb: {  	[smem:$0x3FAF] =	sst s3  }
0xc: {  	[smem:$0x3FB0] =	sst s4  }
0xd: {  	[smem:$0x3FB1] =	sst s5  }
0xe: {  	[smem:$0x3FB2] =	sst s6  }
0xf: {  	[smem:$0x3FB3] =	sst s7  }
0x10: {  	[smem:$0x3FB4] =	sst s8  }
0x11: {  	[smem:$0x3FB5] =	sst s9;
	s0 =	simm.s32 @!p0 $0x0  }
0x12: {  	s1 =	sld [smem:$0x3F9B];
	s0 =	simm.s32 @p0 $0x1  }
0x13: {  	[smem:$0x3FB6] =	sst s0;
	s0 =	simm.s32 @!p1 $0x0  }
0x14: {  	s2 =	sld [smem:$0x3F9A];
	s0 =	simm.s32 @p1 $0x1  }
0x15: {  	[smem:$0x3FB7] =	sst s0;
	s0 =	simm.s32 @!p2 $0x0  }
0x16: {  	s3 =	sld [smem:$0x3FDB];
	s0 =	simm.s32 @p2 $0x1  }
0x17: {  	s4 =	simm.s32 $0x1BF5;
	[smem:$0x3FB9] =	sst s0  }
0x18: {  	s0 =	sld [smem:$0x3F9C];
	_ =	swait.ge [sflag:s4], $0x0  }
0x19: {  	s7 =	sld [smem:$0x3F9D]  }
0x1a: {  	s8 =	sadd.s32 $0xFFFFE003, lr  }
0x1b: {  	s9 =	sadd.s32 $0xFFFFFEF7, lr;
	s5 =	simm.s32 $0xFFFFFFFF;
	p2 =	slt.u32 s8, $0xFFFFF086  }
0x1c: {  	p1 =	slt.u32 s9, $0xF7A;
	s5 =	simm.s32 @!p2 $0x0  }
0x1d: {  	s5 =	simm.s32 @p1 $0x1;
	p0 =	seq.s32 s7, s2  }
0x1e: {  	s7 =	smul.u32 @!p0 $0xF7A, s2;
	p2 =	seq.s32 @!p0 s5, $0x0  }
0x1f: {  	s9 =	smul.u32 $0xF7A, s1;
	s8 =	simm.s32 @!p0 $0x1BF5;
	p2 =	por !p2, p0  }
0x20: {  	[sflag:s8] =	ssyncset.s32 @!p0 $0xFFFFF086;
	s6 =	sadd.s32 @!p0 s3, s7;
	s7 =	simm.s32 @!p0 $0x108  }
0x21: {  	s3 =	sadd.s32 s3, s9;
	s6 =	sadd.s32 @!p0 $0x88, s6;
	s7 =	simm.s32 @p2 $0x1082  }
0x22: {  	[simem:s7], [sflag:s8] =	dma.local @!p0 [hbm:s6], $0xF7A  }
0x23: {  	s9 =	sor.u32 $0xD0000000, s2;
	s6 =	simm.s32 $0x108;
	_ =	swait.ge @!p0 [sflag:s8], $0x0  }
0x24: {  	s3 =	sadd.s32 $0x88, s3;
	s6 =	simm.s32 @!p1 $0x1082;
	[sflag:s4] =	ssyncset.s32 $0xFFFFF086  }
0x25: {  	[simem:s6], [sflag:s4] =	dma.local [hbm:s3], $0xF7A  }
0x26: {  	[smem:$0x3F9D] =	sst s1;
	(tag) =	ssettag s2;
	_ =	strace s9  }
0x27: {  	s1 =	sld [smem:$0x3FAD]  }
0x28: {  	s2 =	sld [smem:$0x3FAE]  }
0x29: {  	s4 =	sld [smem:$0x3FB0]  }
0x2a: {  	p0 =	seq.s32 s5, $0x0;
	s5 =	sld [smem:$0x3FB1]  }
0x2b: {  	s6 =	sld [smem:$0x3FB2]  }
0x2c: {  	s7 =	sld [smem:$0x3FB3]  }
0x2d: {  	s3 =	simm.s32 $0x108;
	s8 =	sld [smem:$0x3FB4]  }
0x2e: {  	s3 =	simm.s32 @!p0 $0x1082;
	s9 =	sld [smem:$0x3FB5]  }
0x2f: {  	lr =	sadd.s32 s0, s3;
	s0 =	sld [smem:$0x3FAC]  }
0x30: {  	s3 =	sld [smem:$0x3FAF]  }
0x31: {  	[smem:$0x3FB8] =	sst s10  }
0x32: {  	s10 =	sld [smem:$0x3FB6];
	_ =	sdelay $0x3  }
0x33: {  	p0 =	seq.s32 s10, $0x1;
	s10 =	sld [smem:$0x3FB8];
	_ =	sdelay $0x3  }
0x34: {  	[smem:$0x3FB8] =	sst s10  }
0x35: {  	s10 =	sld [smem:$0x3FB7];
	_ =	sdelay $0x3  }
0x36: {  	p1 =	seq.s32 s10, $0x1;
	s10 =	sld [smem:$0x3FB8];
	_ =	sdelay $0x3  }
0x37: {  	[smem:$0x3FB8] =	sst s10  }
0x38: {  	s10 =	sld [smem:$0x3FB9]  }
0x39: {  	_ = 	snop;
	(pc) =	sbr.ind lr, $3  }
0x3a: {  	_ = 	snop  }
0x3b: {  	_ = 	snop  }
0x3c: {  	p2 =	seq.s32 s10, $0x1;
	s10 =	sld [smem:$0x3FB8]  }
0x3d: {  	_ =	shalt  }
0x3e: {  	_ =	shalt  }
0x3f: {  	_ =	shalt  }
0x40: {  	_ =	shalt  }
0x41: {  	_ =	shalt  }
0x42: {  	_ =	shalt  }
0x43: {  	_ =	shalt  }
0x44: {  	_ =	shalt  }
0x45: {  	_ =	shalt  }
0x46: {  	_ =	shalt  }
0x47: {  	_ =	shalt  }
0x48: {  	_ =	shalt  }
0x49: {  	_ =	shalt  }
0x4a: {  	_ =	shalt  }
0x4b: {  	_ =	shalt  }
0x4c: {  	_ =	shalt  }
0x4d: {  	_ =	shalt  }
0x4e: {  	_ =	shalt  }
0x4f: {  	_ =	shalt  }
0x50: {  	_ =	shalt  }
0x51: {  	_ =	shalt  }
0x52: {  	_ =	shalt  }
0x53: {  	_ =	shalt  }
0x54: {  	_ =	shalt  }
0x55: {  	_ =	shalt  }
0x56: {  	_ =	shalt  }
0x57: {  	_ =	shalt  }
0x58: {  	_ =	shalt  }
0x59: {  	_ =	shalt  }
0x5a: {  	_ =	shalt  }
0x5b: {  	_ =	shalt  }
0x5c: {  	_ =	shalt  }
0x5d: {  	_ =	shalt  }
0x5e: {  	_ =	shalt  }
0x5f: {  	_ =	shalt  }
0x60: {  	_ =	shalt  }
0x61: {  	_ =	shalt  }
0x62: {  	_ =	shalt  }
0x63: {  	_ =	shalt  }
0x64: {  	_ =	shalt  }
0x65: {  	_ =	shalt  }
0x66: {  	_ =	shalt  }
0x67: {  	_ =	shalt  }
0x68: {  	_ =	shalt  }
0x69: {  	_ =	shalt  }
0x6a: {  	_ =	shalt  }
0x6b: {  	_ =	shalt  }
0x6c: {  	_ =	shalt  }
0x6d: {  	_ =	shalt  }
0x6e: {  	_ =	shalt  }
0x6f: {  	_ =	shalt  }
0x70: {  	_ =	shalt  }
0x71: {  	_ =	shalt  }
0x72: {  	_ =	shalt  }
0x73: {  	_ =	shalt  }
0x74: {  	_ =	shalt  }
0x75: {  	_ =	shalt  }
0x76: {  	_ =	shalt  }
0x77: {  	_ =	shalt  }
0x78: {  	_ =	shalt  }
0x79: {  	_ =	shalt  }
0x7a: {  	_ =	shalt  }
0x7b: {  	_ =	shalt  }
0x7c: {  	_ =	shalt  }
0x7d: {  	_ =	shalt  }
0x7e: {  	_ =	shalt  }
0x7f: {  	_ =	shalt  }
0x80: {  	_ =	shalt  }
0x81: {  	_ =	shalt  }
0x82: {  	_ =	shalt  }
0x83: {  	_ =	shalt  }
0x84: {  	_ =	shalt  }
0x85: {  	_ =	shalt  }
0x86: {  	_ =	shalt  }
0x87: {  	_ =	shalt  }
.Lfunc_end0:
.L_simem_size_0:
called_computation_lowered:
.L_overlay_start_0:
0x88: {  	s2 =	sld [smem:$0x3FD9]  }
0x89: {  	s3 =	sld [smem:$0x3FFE];
	_ =	sdelay $0x1  }
0x8a: {  	s1 =	srdreg.scid  }
0x8b: {  	s0 =	sand.u32 $0x1, s1  }
0x8c: {  	s17 =	sshll.u32 s0, $0xA;
	s2 =	sadd.s32 s3, s2  }
0x8d: {  	s2 =	sadd.s32 s2, s17  }
0x8e: {  	[smem:$0x3FC4] =	sst s2  }
0x8f: {  	_ = 	snop  }
0x90: {  	s2 =	sld [smem:$0x3FC6]  }
0x91: {  	s18 =	sld [smem:$0x3FD0];
	(tm) =	ssettm $0x1  }
0x92: {  	s4 =	sld [smem:$0x3FFB];
	_ =	sdelay $0x3  }
0x93: {  	_ =	strace s4  }
0x94: {  	s4 =	sld [smem:$0x3FFC];
	_ =	sdelay $0x3  }
0x95: {  	_ =	strace s4  }
0x96: {  	s4 =	sld [smem:$0x3FFD];
	_ =	sdelay $0x3  }
0x97: {  	_ =	strace s4  }
0x98: {  	_ =	strace $0x8FFFFFFF  }
0x99: {  	s19 =	sld [smem:$0x3FDB];
	_ =	sdelay $0x1  }
0x9a: {  	s5 =	simm.s32 $_scs_section_size  }
0x9b: {  	s6 =	simm.s32 $_size__tile_overlayer_lowered;
	s7 =	simm.s32 $_tile_overlayer_lowered  }
0x9c: {  	s22 =	simm.s32 $0x1BFF;
	s21 =	sshll.u32 s7, $0x1;
	s4 =	sadd.s32 s5, s19  }
0x9d: {  	s8 =	simm.s32 $0x0;
	s20 =	sshll.u32 s6, $0x1;
	s6 =	sadd.s32 s21, s4  }
0x9e: {  	[timem:s8], [sflag:s22] =	dma.local [hbm:s6], s20  }
0x9f: {  	_ =	swait.ge [sflag:s22], s20  }
0xa0: {  	s5 =	ssub.s32 $0x0, s20;
	[sflag:s22] =	ssyncset.done $0x0  }
0xa1: {  	[sflag:s22] =	ssyncadd.s32 s5;
	_ =	sdelay $0x1  }
0xa2: {  	s23 =	simm.s32 $0x1B8B  }
0xa3: {  	_ =	swait.ge [sflag:s23], $0x1  }
0xa4: {  	[sflag:s23] =	ssyncset.done $0x0  }
0xa5: {  	s25 =	simm.s32 $0x1B8E;
	s24 =	sld [smem:$0x3FFE];
	[sflag:s23] =	ssyncadd.s32 $0xFFFFFFFF  }
0xa6: {  	s26 =	simm.s32 $execute0_lowered;
	[smem:$0x3FD2] =	sst s25  }
0xa7: {  	s6 =	sshll.u32 s26, $0x1;
	_ =	strace $0x80000046;
	[dreg:$0x1] =	wrdreg $0xFFFFFFFF  }
0xa8: {  	s28 =	simm.s32 $_size_execute0_lowered;
	s4 =	sadd.s32 s4, s6;
	[dreg:$0x0] =	wrdreg $0x0  }
0xa9: {  	s6 =	sshll.u32 s28, $0x1;
	[dreg:$0x2] =	wrdreg s4  }
0xaa: {  	[dreg:$0x3] =	wrdreg s6  }
0xab: {  	[dreg:$0x4] =	wrdreg $0xC0  }
0xac: {  	_ =	task [dreg:s8], $0x5FFFF  }
0xad: {  	[dreg:$0x1] =	wrdreg $0xFFFFFFFF  }
0xae: {  	[dreg:$0x0] =	wrdreg $0x60  }
0xaf: {  	[dreg:$0x2] =	wrdreg s2  }
0xb0: {  	[dreg:$0x3] =	wrdreg s24  }
0xb1: {  	[dreg:$0x4] =	wrdreg s18  }
0xb2: {  	[dreg:$0x5] =	wrdreg $0x9  }
0xb3: {  	_ =	task.clear_ibuf [dreg:s8], $0x6FFFF;
	_ =	strace $0x90000046  }
0xb4: {  	s29 =	simm.s32 $0x9;
	_ =	strace $0x80000048  }
0xb5: {  	_ =	swait.ge [sflag:s29], $0x1  }
0xb6: {  	[sflag:s29] =	ssyncadd.s32 $0xFFFFFFFF  }
0xb7: {  	_ =	strace $0x90000048  }
0xb8: {  	_ =	sfence  }
0xb9: {  	s30 =	sld [smem:$0x0];
	_ =	sdelay $0x2  }
0xba: {  	s31 =	sshll.u32 s1, $0xD;
	s1 =	sshrl.u32 s1, $0x2  }
0xbb: {  	s3 =	sand.u32 $0x4000, s31;
	s1 =	sadd.s32 s1, s30  }
0xbc: {  	s0 =	sor.u32 s3, s0;
	s1 =	sshll.u32 s1, $0x11  }
0xbd: {  	s0 =	sor.u32 s1, s0  }
0xbe: {  	s0 =	sadd.s32 $0x8F2B, s0  }
0xbf: {  	[sflag:s0] =	ssyncadd.remote.s32 $0x1  }
0xc0: {  	_ =	sfence.sel $0xFFFF  }
0xc1: {  	[dreg:$0x0] =	wrdreg $0xFFFFFFFF;
	(pc) =	sbr.abs _section_cstart, $3  }
0xc2: {  	[dreg:$0x1] =	wrdreg $0xFFFFFFFF  }
0xc3: {  	_ =	task.clear_ibuf [dreg:s8], $0x2FFFF;
	_ =	strace $0x9FFFFFFF  }
0xc4: {  	(tm) =	ssettm $0x7FFFFFFF  }
0xc5: {  	_ =	shalt  }
tec
execute0_lowered:
.L_overlay_start_1:
0x0: {  	(tag) =	ssettag $0x1  }
0x1: {  	s0 =	rddreg [dreg:$0x0]  }
0x2: {  	s2 =	rddreg [dreg:$0x1];
	s1 =	srdreg.scid  }
0x3: {  	s19 =	stileid.u32;
	s10 =	rddreg [dreg:$0x2];
	s15 =	simm.s32 $0x5  }
0x4: {  	s16 =	simm.s32 $0x80;
	s17 =	simm.s32 $0x3D00;
	s18 =	simm.s32 $0x7D00  }
0x5: {  	s20 =	simm.s32 $0xBD00;
	s22 =	simm.s32 $0xFD00;
	s28 =	simm.s32 $0x1  }
0x6: {  	s29 =	simm.s32 $0x3;
	s8 =	sand.u32 $0x1, s1;
	s23 =	sshll.u32 s19, $0x1  }
0x7: {  	s1 =	simm.s32 $0x0;
	s2 =	sadd.s32 $0x800, s2;
	s12 =	smul.u32 $0x7A000, s19  }
0x8: {  	s7 =	sadd.s32 $0xF420, s0;
	p0 =	sne.s32 s19, $0x0;
	s19 =	simm.s32 $0x2  }
0x9: {  	s21 =	sor.u32 s8, s23;
	s3 =	ssub.s32 $0x2, s8;
	[smem:$0x7FF] =	sst s1  }
0xa: {  	s26 =	sshll.u32 s8, $0x7;
	s31 =	smul.u32 $0x3D000, s8;
	s8 =	sadd.s32 $0x7A1000, s10  }
0xb: {  	s23 =	simm.s32 $0x0;
	s4 =	smul.u32 $0x3D00, s21;
	s5 =	sshrl.u32 s3, $0x1  }
0xc: {  	s6 =	smul.u32 $0x1E8000, s21;
	_ =	strace $0x80000047;
	s30 =	sor.u32 $0x7A000, s26  }
0xd: {  	s9 =	smul.u32 $0x3D000, s21;
	s12 =	sadd.s32 s12, s10;
	p1 =	sne.s32 s21, $0x2  }
0xe: {  	s26 =	simm.s32 $0x17D00;
	s21 =	simm.s32 $0x4;
	s11 =	ssub.s32 s3, s5  }
0xf: {  	s5 =	sshrl.u32 s30, $0x3;
	s24 =	sshrl.u32 s4, $0x3;
	s25 =	sshrl.u32 s6, $0x3  }
0x10: {  	s5 =	sadd.s32 s0, s5;
	s6 =	sshll.u32 s30, $0x4;
	s9 =	sadd.s32 s10, s9  }
0x11: {  	s3 =	sadd.s32 s0, s24;
	s4 =	sadd.s32 s10, s25;
	s6 =	sadd.s32 s10, s6  }
0x12: {  	s10 =	smax.u32 s11, $0x1;
	s11 =	sadd.s32 $0x1800, s9;
	s0 =	sadd.s32 s31, s12  }
0x13: {  	s12 =	sadd.s32 $0x39000, s9;
	s13 =	sadd.s32 $0x3A800, s9;
	s24 =	simm.s32 $0x13D00  }
0x14: {  	[dreg:$0x4] =	wrdreg s3;
	s4 =	sadd.s32 $0x3C000, s4;
	s14 =	sadd.s32 $0x3000, s0  }
.LBB2_1:
0x15: {  	s0 =	rddreg [dreg:$0x4]  }
0x16: {  	[tilespmem:s1], [sflag:$0x5] =	stream.linear.gather [hbm4b:s0+s1], $0x3D00, $0x38;
	[tilespmem:$0x1BD80] =	vst v63  }
0x17: {  	_ =	swait.ge [sflag:s15], $0x3D00  }
0x18: {  	[sflag:s15] =	ssyncset.done $0x0  }
0x19: {  	[sflag:s15] =	ssyncadd.s32 $0xFFFFC300  }
0x1a: {  	[tilespmem:s17], [sflag:$0x1] =	stream.indirect.gather [hbm4b:s2+s16], $0x80, s1, s16, $0xb8;
	[tilespmem:$0x1BD80] =	vst v63  }
0x1b: {  	_ = 	snop  }
0x1c: {  	[tilespmem:s18], [sflag:$0x1] =	stream.indirect.gather [hbm4b:s2+s16], $0x80, s16, s16, $0xb8;
	[tilespmem:$0x1BD80] =	vst v63  }
0x1d: {  	s25 =	simm.s32 $0x100  }
0x1e: {  	[tilespmem:s20], [sflag:$0x1] =	stream.indirect.gather [hbm4b:s2+s16], $0x80, s25, s16, $0xb8;
	[tilespmem:$0x1BD80] =	vst v63  }
0x1f: {  	s3 =	simm.s32 $0x180  }
0x20: {  	[tilespmem:s22], [sflag:$0x2] =	stream.indirect.gather [hbm4b:s2+s16], $0x80, s3, s16, $0xb8;
	[tilespmem:$0x1BD80] =	vst v63  }
0x21: {  	s25 =	simm.s32 $0x200  }
0x22: {  	[tilespmem:s24], [sflag:$0x2] =	stream.indirect.gather [hbm4b:s2+s16], $0x80, s25, s16, $0xb8;
	[tilespmem:$0x1BD80] =	vst v63  }
0x23: {  	s3 =	simm.s32 $0x280  }
0x24: {  	[tilespmem:s26], [sflag:$0x2] =	stream.indirect.gather [hbm4b:s2+s16], $0x80, s3, s16, $0xb8;
	[tilespmem:$0x1BD80] =	vst v63  }
0x25: {  	_ =	swait.ge [sflag:s28], $0xC000  }
0x26: {  	[sflag:s28] =	ssyncset.done $0x0  }
0x27: {  	[sflag:s28] =	ssyncadd.s32 $0xFFFF4000  }
0x28: {  	[hbm4b:s9+s1] =	stream.linear.scatter [tilespmem:s17], [sflag:$0x3], $0xC000, $0x38;
	[tilespmem:$0x1BD80] =	vst v63  }
0x29: {  	_ =	swait.ge [sflag:s29], $0xC000  }
0x2a: {  	[sflag:s29] =	ssyncset.done $0x0  }
0x2b: {  	s25 =	simm.s32 $0x300;
	[sflag:s29] =	ssyncadd.s32 $0xFFFF4000  }
0x2c: {  	[tilespmem:s17], [sflag:$0x1] =	stream.indirect.gather [hbm4b:s2+s16], $0x80, s25, s16, $0xb8;
	[tilespmem:$0x1BD80] =	vst v63  }
0x2d: {  	s3 =	simm.s32 $0x380  }
0x2e: {  	[tilespmem:s18], [sflag:$0x1] =	stream.indirect.gather [hbm4b:s2+s16], $0x80, s3, s16, $0xb8;
	[tilespmem:$0x1BD80] =	vst v63  }
0x2f: {  	s25 =	simm.s32 $0x400  }
0x30: {  	[tilespmem:s20], [sflag:$0x1] =	stream.indirect.gather [hbm4b:s2+s16], $0x80, s25, s16, $0xb8;
	[tilespmem:$0x1BD80] =	vst v63  }
0x31: {  	_ =	swait.ge [sflag:s19], $0xC000  }
0x32: {  	[sflag:s19] =	ssyncset.done $0x0  }
0x33: {  	[sflag:s19] =	ssyncadd.s32 $0xFFFF4000  }
0x34: {  	[hbm4b:s11+s1] =	stream.linear.scatter [tilespmem:s22], [sflag:$0x4], $0xC000, $0x38;
	[tilespmem:$0x1BD80] =	vst v63  }
0x35: {  	_ =	swait.ge [sflag:s21], $0xC000  }
0x36: {  	[sflag:s21] =	ssyncset.done $0x0  }
0x37: {  	s25 =	simm.s32 $0x480;
	[sflag:s21] =	ssyncadd.s32 $0xFFFF4000  }
0x38: {  	[tilespmem:s22], [sflag:$0x2] =	stream.indirect.gather [hbm4b:s2+s16], $0x80, s25, s16, $0xb8;
	[tilespmem:$0x1BD80] =	vst v63  }
0x39: {  	s3 =	simm.s32 $0x500  }
0x3a: {  	[tilespmem:s24], [sflag:$0x2] =	stream.indirect.gather [hbm4b:s2+s16], $0x80, s3, s16, $0xb8;
	[tilespmem:$0x1BD80] =	vst v63  }
0x3b: {  	s0 =	simm.s32 $0x580  }
0x3c: {  	[tilespmem:s26], [sflag:$0x2] =	stream.indirect.gather [hbm4b:s2+s16], $0x80, s0, s16, $0xb8;
	[tilespmem:$0x1BD80] =	vst v63  }
0x3d: {  	_ =	swait.ge [sflag:s28], $0xC000  }
0x3e: {  	[sflag:s28] =	ssyncset.done $0x0  }
0x3f: {  	[sflag:s28] =	ssyncadd.s32 $0xFFFF4000  }
0x40: {  	[hbm4b:s14+s1] =	stream.linear.scatter [tilespmem:s17], [sflag:$0x3], $0xC000, $0x38;
	[tilespmem:$0x1BD80] =	vst v63  }
0x41: {  	_ =	swait.ge [sflag:s29], $0xC000  }
0x42: {  	[sflag:s29] =	ssyncset.done $0x0  }
0x43: {  	s3 =	simm.s32 $0x600;
	[sflag:s29] =	ssyncadd.s32 $0xFFFF4000  }
0x44: {  	[tilespmem:s17], [sflag:$0x1] =	stream.indirect.gather [hbm4b:s2+s16], $0x80, s3, s16, $0xb8;
	[tilespmem:$0x1BD80] =	vst v63  }
0x45: {  	s0 =	simm.s32 $0x680  }
0x46: {  	[tilespmem:s18], [sflag:$0x1] =	stream.indirect.gather [hbm4b:s2+s16], $0x80, s0, s16, $0xb8;
	[tilespmem:$0x1BD80] =	vst v63  }
0x47: {  	s3 =	simm.s32 $0x700  }
0x48: {  	[tilespmem:s20], [sflag:$0x1] =	stream.indirect.gather [hbm4b:s2+s16], $0x80, s3, s16, $0xb8;
	[tilespmem:$0x1BD80] =	vst v63  }
0x49: {  	_ =	swait.ge [sflag:s19], $0xC000  }
0x4a: {  	s31 =	sadd.s32 $0x1800, s14;
	[sflag:s19] =	ssyncset.done $0x0  }
0x4b: {  	s30 =	sadd.s32 $0x3000, s14;
	s25 =	simm.s32 $0xC00;
	[sflag:s19] =	ssyncadd.s32 $0xFFFF4000  }
.LBB2_2:
0x4c: {  	[hbm4b:s31+s1] =	stream.linear.scatter [tilespmem:s22], [sflag:$0x4], $0xC000, $0x38;
	[tilespmem:$0x1BD80] =	vst v63  }
0x4d: {  	s31 =	smov.u32 s25  }
0x4e: {  	p2 =	sne.s32 s25, $0xCC00;
	s25 =	sadd.s32 $0xC00, s25;
	_ =	swait.ge [sflag:s21], $0xC000  }
0x4f: {  	s31 =	sshra.s32 s31, $0x2;
	[sflag:s21] =	ssyncset.done $0x0  }
0x50: {  	s0 =	sadd.s32 $0x480, s31;
	[sflag:s21] =	ssyncadd.s32 $0xFFFF4000  }
0x51: {  	[tilespmem:s22], [sflag:$0x2] =	stream.indirect.gather [hbm4b:s2+s16], $0x80, s0, s16, $0xb8;
	[tilespmem:$0x1BD80] =	vst v63  }
0x52: {  	s0 =	sadd.s32 $0x500, s31  }
0x53: {  	[tilespmem:s24], [sflag:$0x2] =	stream.indirect.gather [hbm4b:s2+s16], $0x80, s0, s16, $0xb8;
	[tilespmem:$0x1BD80] =	vst v63  }
0x54: {  	s0 =	sadd.s32 $0x580, s31  }
0x55: {  	[tilespmem:s26], [sflag:$0x2] =	stream.indirect.gather [hbm4b:s2+s16], $0x80, s0, s16, $0xb8;
	[tilespmem:$0x1BD80] =	vst v63  }
0x56: {  	_ =	swait.ge [sflag:s28], $0xC000  }
0x57: {  	[sflag:s28] =	ssyncset.done $0x0  }
0x58: {  	[sflag:s28] =	ssyncadd.s32 $0xFFFF4000  }
0x59: {  	[hbm4b:s30+s1] =	stream.linear.scatter [tilespmem:s17], [sflag:$0x3], $0xC000, $0x38;
	[tilespmem:$0x1BD80] =	vst v63  }
0x5a: {  	_ =	swait.ge [sflag:s29], $0xC000  }
0x5b: {  	[sflag:s29] =	ssyncset.done $0x0  }
0x5c: {  	s0 =	sadd.s32 $0x600, s31;
	[sflag:s29] =	ssyncadd.s32 $0xFFFF4000  }
0x5d: {  	[tilespmem:s17], [sflag:$0x1] =	stream.indirect.gather [hbm4b:s2+s16], $0x80, s0, s16, $0xb8;
	[tilespmem:$0x1BD80] =	vst v63  }
0x5e: {  	s0 =	sadd.s32 $0x680, s31  }
0x5f: {  	[tilespmem:s18], [sflag:$0x1] =	stream.indirect.gather [hbm4b:s2+s16], $0x80, s0, s16, $0xb8;
	[tilespmem:$0x1BD80] =	vst v63  }
.Ltmp0:
0x60: {  	s0 =	sadd.s32 $0x700, s31;
	(pc) =	sbr.rel @p2 .LBB2_2-.Ltmp0, $4  }
0x61: {  	[tilespmem:s20], [sflag:$0x1] =	stream.indirect.gather [hbm4b:s2+s16], $0x80, s0, s16, $0xb8;
	[tilespmem:$0x1BD80] =	vst v63  }
0x62: {  	_ =	swait.ge [sflag:s19], $0xC000  }
0x63: {  	[sflag:s19] =	ssyncset.done $0x0  }
0x64: {  	s31 =	sadd.s32 $0x1800, s30;
	s30 =	sadd.s32 $0x3000, s30;
	[sflag:s19] =	ssyncadd.s32 $0xFFFF4000  }
0x65: {  	[hbm4b:s31+s1] =	stream.linear.scatter [tilespmem:s22], [sflag:$0x4], $0xC000, $0x38;
	[tilespmem:$0x1BD80] =	vst v63  }
0x66: {  	_ =	swait.ge [sflag:s21], $0xC000  }
0x67: {  	[sflag:s21] =	ssyncset.done $0x0  }
0x68: {  	s0 =	simm.s32 $0x3A80;
	[sflag:s21] =	ssyncadd.s32 $0xFFFF4000  }
0x69: {  	[tilespmem:s22], [sflag:$0x2] =	stream.indirect.gather [hbm4b:s2+s16], $0x80, s0, s16, $0xb8;
	[tilespmem:$0x1BD80] =	vst v63  }
0x6a: {  	s3 =	simm.s32 $0x3B00  }
0x6b: {  	[tilespmem:s24], [sflag:$0x2] =	stream.indirect.gather [hbm4b:s2+s16], $0x80, s3, s16, $0xb8;
	[tilespmem:$0x1BD80] =	vst v63  }
0x6c: {  	s25 =	simm.s32 $0x3B80  }
0x6d: {  	[tilespmem:s26], [sflag:$0x2] =	stream.indirect.gather [hbm4b:s2+s16], $0x80, s25, s16, $0xb8;
	[tilespmem:$0x1BD80] =	vst v63  }
0x6e: {  	_ =	swait.ge [sflag:s28], $0xC000  }
0x6f: {  	[sflag:s28] =	ssyncset.done $0x0  }
0x70: {  	[sflag:s28] =	ssyncadd.s32 $0xFFFF4000  }
0x71: {  	[hbm4b:s12+s1] =	stream.linear.scatter [tilespmem:s17], [sflag:$0x3], $0xC000, $0x38;
	[tilespmem:$0x1BD80] =	vst v63  }
0x72: {  	_ =	swait.ge [sflag:s29], $0xC000  }
0x73: {  	[sflag:s29] =	ssyncset.done $0x0  }
0x74: {  	[sflag:s29] =	ssyncadd.s32 $0xFFFF4000  }
0x75: {  	_ =	swait.ge [sflag:s19], $0xC000  }
0x76: {  	[sflag:s19] =	ssyncset.done $0x0  }
0x77: {  	[sflag:s19] =	ssyncadd.s32 $0xFFFF4000  }
0x78: {  	[hbm4b:s13+s1] =	stream.linear.scatter [tilespmem:s22], [sflag:$0x4], $0xC000, $0x38;
	[tilespmem:$0x1BD80] =	vst v63  }
0x79: {  	s30 =	simm.s32 $0x3C00  }
0x7a: {  	[tilespmem:s17], [sflag:$0x1] =	stream.indirect.gather [hbm4b:s2+s16], $0x80, s30, s16, $0xb8;
	[tilespmem:$0x1BD80] =	vst v63  }
0x7b: {  	s31 =	simm.s32 $0x3C80  }
0x7c: {  	[tilespmem:s18], [sflag:$0x1] =	stream.indirect.gather [hbm4b:s2+s16], $0x80, s31, s16, $0xb8;
	[tilespmem:$0x1BD80] =	vst v63  }
0x7d: {  	_ =	swait.ge [sflag:s28], $0x8000  }
0x7e: {  	[sflag:s28] =	ssyncset.done $0x0  }
0x7f: {  	[sflag:s28] =	ssyncadd.s32 $0xFFFF8000  }
0x80: {  	[hbm4b:s4+s1] =	stream.linear.scatter [tilespmem:s17], [sflag:$0x5], $0x8000, $0x38;
	[tilespmem:$0x1BD80] =	vst v63  }
0x81: {  	_ =	swait.ge [sflag:s15], $0x8000  }
0x82: {  	[sflag:s15] =	ssyncset.done $0x0  }
0x83: {  	[sflag:s15] =	ssyncadd.s32 $0xFFFF8000  }
0x84: {  	_ =	swait.ge [sflag:s21], $0xC000  }
0x85: {  	s0 =	simm.s32 @!p0 $0x0;
	[sflag:s21] =	ssyncset.done $0x0  }
0x86: {  	s25 =	simm.s32 @!p0 $0x1BD00;
	s30 =	simm.s32 @!p0 $0x5;
	[sflag:s21] =	ssyncadd.s32 $0xFFFF4000  }
0x87: {  	[tilespmem:s25], [sflag:$0x5] =	stream.linear.gather @!p0 [hbm4b:s5+s0], $0x80, $0x38;
	[tilespmem:$0x1BD80] =	vst v63  }
0x88: {  	_ =	swait.ge @!p0 [sflag:s30], $0x80  }
0x89: {  	[sflag:s30] =	ssyncset.done @!p0 $0x0  }
0x8a: {  	s3 =	simm.s32 @!p0 $0x3D00;
	s31 =	simm.s32 @!p0 $0x80;
	[sflag:s30] =	ssyncadd.s32 @!p0 $0xFFFFFF80  }
0x8b: {  	[tilespmem:s3], [sflag:$0x1] =	stream.indirect.gather @!p0 [hbm4b:s2+s31], $0x80, s25, s31, $0xb8;
	[tilespmem:$0x1BD80] =	vst v63  }
0x8c: {  	s25 =	simm.s32 @!p0 $0x1  }
0x8d: {  	_ =	swait.ge @!p0 [sflag:s25], $0x4000  }
0x8e: {  	[sflag:s25] =	ssyncset.done @!p0 $0x0  }
0x8f: {  	[sflag:s25] =	ssyncadd.s32 @!p0 $0xFFFFC000  }
0x90: {  	[hbm4b:s6+s0] =	stream.linear.scatter @!p0 [tilespmem:s3], [sflag:$0x5], $0x4000, $0x38;
	[tilespmem:$0x1BD80] =	vst v63  }
0x91: {  	_ =	swait.ge @!p0 [sflag:s30], $0x4000  }
0x92: {  	s25 =	simm.s32 @!p1 $0x5;
	[sflag:s30] =	ssyncset.done @!p0 $0x0  }
0x93: {  	s0 =	simm.s32 @!p1 $0x0;
	s3 =	simm.s32 @!p1 $0x1BD00;
	[sflag:s30] =	ssyncadd.s32 @!p0 $0xFFFFC000  }
0x94: {  	[tilespmem:s3], [sflag:$0x5] =	stream.linear.gather @!p1 [hbm4b:s7+s0], $0x20, $0x38;
	[tilespmem:$0x1BD80] =	vst v63  }
0x95: {  	_ =	swait.ge @!p1 [sflag:s25], $0x20  }
0x96: {  	[sflag:s25] =	ssyncset.done @!p1 $0x0  }
0x97: {  	s31 =	simm.s32 @!p1 $0x3D00;
	s30 =	simm.s32 @!p1 $0x20;
	[sflag:s25] =	ssyncadd.s32 @!p1 $0xFFFFFFE0  }
0x98: {  	[tilespmem:s31], [sflag:$0x1] =	stream.indirect.gather @!p1 [hbm4b:s2+s30], $0x80, s3, s30, $0xb8;
	[tilespmem:$0x1BD80] =	vst v63  }
0x99: {  	s3 =	simm.s32 @!p1 $0x1  }
0x9a: {  	s23 =	sadd.s32 $0x1, s23;
	_ =	swait.ge @!p1 [sflag:s3], $0x1000  }
0x9b: {  	p2 =	sne.s32 s23, s10;
	[sflag:s3] =	ssyncset.done @!p1 $0x0  }
.Ltmp1:
0x9c: {  	[sflag:s3] =	ssyncadd.s32 @!p1 $0xFFFFF000;
	(pc) =	sbr.rel @p2 .LBB2_1-.Ltmp1, $4  }
0x9d: {  	[hbm4b:s8+s0] =	stream.linear.scatter @!p1 [tilespmem:s31], [sflag:$0x5], $0x1000, $0x38;
	[tilespmem:$0x1BD80] =	vst v63  }
0x9e: {  	_ =	swait.ge @!p1 [sflag:s25], $0x1000  }
0x9f: {  	[sflag:s25] =	ssyncset.done @!p1 $0x0  }
0xa0: {  	[sflag:s25] =	ssyncadd.s32 @!p1 $0xFFFFF000  }
0xa1: {  	_ =	sfence.sel $0x180000  }
0xa2: {  	[bflag:$0x0] =	sbarrier.arrive $0xFFFF  }
0xa3: {  	_ =	strace $0x90000047  }
0xa4: {  	[bflag:$0x2] =	sbarrier.arrive $0xFFFF  }
0xa5: {  	s0 =	rddreg [dreg:$0x3]  }
0xa6: {  	s0 =	sadd.s32 @!p0 $0x100000, s0  }
0xa7: {  	[sflag:s0] =	ssyncadd.tile.s32 @!p0 $0x1;
	_ =	shalt  }
.Lfunc_end2:
_tile_overlayer_lowered:
.L_overlay_start_2:
0xa8: {  	(tag) =	ssettag $0x2  }
0xa9: {  	s0 =	rddreg [dreg:$0x0];
	s2 =	stileid.u32  }
0xaa: {  	s1 =	rddreg [dreg:$0x1];
	p0 =	sne.s32 s2, $0x0  }
0xab: {  	s3 =	rddreg [dreg:$0x2];
	[bflag:$0x3] =	sbarrier.arrive $0xFFFF;
	s2 =	simm.s32 @!p0 $0x1C05  }
0xac: {  	[timem:s3], [sflag:s2] =	dma.local @!p0 [hbm:s0], s1  }
0xad: {  	s0 =	simm.s32 @!p0 $0x5  }
0xae: {  	_ =	swait.ge @!p0 [sflag:s0], s1  }
0xaf: {  	s1 =	ssub.s32 @!p0 $0x0, s1;
	[sflag:s0] =	ssyncset.done @!p0 $0x0  }
0xb0: {  	[sflag:s0] =	ssyncadd.s32 @!p0 s1  }
0xb1: {  	[bflag:$0x3] =	sbarrier.arrive $0xFFFF  }
0xb2: {  	_ =	shalt  }

</sc_bundles>
